<compile_context>
chip_gen: v7x
topology: tpu7x:2x2x1
jax: 0.10.2.dev20260603
libtpu: 0.0.44.dev20260713+nightly
codegen_flags: <defaults>
</compile_context>

<pallas_src>
import functools

import jax
import jax.numpy as jnp
from jax import lax
from jax.experimental import pallas as pl
from jax.experimental.pallas import tpu as pltpu
from jax.experimental.pallas import tpu_sc as plsc

_PH = 30521
_LANES = 16

_NUM_CORES = 2
_NUM_SUBCORES = 16

_SUB = 64

_GATHER_DNUMS = lax.GatherDimensionNumbers(
    offset_dims=(), collapsed_slice_dims=(0,), start_index_map=(0,)
)


def _splat(x):
    return jnp.full((_LANES,), x, dtype=jnp.int32)


def _permute(x, idx):
    return lax.gather(
        x,
        idx[:, None],
        dimension_numbers=_GATHER_DNUMS,
        slice_sizes=(1,),
        mode=lax.GatherScatterMode.PROMISE_IN_BOUNDS,
    )


def _inclusive_scan(x, iota):
    for k in (1, 2, 4, 8):
        shifted = _permute(x, jnp.maximum(iota - k, 0))
        gate = jnp.where(iota >= k, jnp.int32(1), jnp.int32(0))
        x = x + shifted * gate
    return x


@functools.lru_cache(maxsize=None)
def _build(B, L, D, P):
    N = B * L
    rows_per_core = B // _NUM_CORES
    chunks_per_row = _NUM_SUBCORES // rows_per_core
    chunk = L // chunks_per_row
    nsub = chunk // _SUB
    nacc = P // _LANES

    mesh = plsc.VectorSubcoreMesh(core_axis_name="c", subcore_axis_name="s")

    @functools.partial(
        pl.kernel,
        mesh=mesh,
        out_type=jax.ShapeDtypeStruct((N, D), jnp.float32),
        scratch_types=[
            pltpu.VMEM((chunk,), jnp.int32),
            pltpu.VMEM((L,), jnp.int32),
            pltpu.VMEM((_SUB, D), jnp.float32),
            pltpu.VMEM((_SUB, D), jnp.float32),
            pltpu.VMEM((P,), jnp.int32),
            pltpu.SemaphoreType.DMA,
            pltpu.SemaphoreType.DMA,
        ],
    )
    def sc_kernel(ids_hbm, emb_hbm, prompt_hbm, out_hbm,
                  ids_c, ids_v, rows0, rows1, pos_v, gsem, wsem):
        ci = lax.axis_index("c")
        si = lax.axis_index("s")
        b = ci * rows_per_core + si // chunks_per_row
        c = si % chunks_per_row
        chunk_base = b * L + c * chunk
        bufs = (rows0, rows1)

        @pl.when(c == 0)
        def _():
            pltpu.sync_copy(ids_hbm.at[pl.ds(b * L, L)], ids_v)
            iota = lax.iota(jnp.int32, _LANES)
            one = jnp.int32(1)
            zero = jnp.int32(0)

            def group_body(g, carry):
                total, *accs = carry
                v = ids_v[pl.ds(g * _LANES, _LANES)]
                m = v == _PH
                ones = jnp.where(m, one, zero)
                inc = _inclusive_scan(ones, iota)
                cnt = _permute(inc, _splat(_LANES - 1))
                sel = jnp.zeros((_LANES,), jnp.int32)
                for l in range(_LANES):
                    il = _permute(inc, _splat(l))
                    sel = sel + jnp.where(il <= iota, one, zero)
                col = _splat(b * L) + g * _LANES + iota
                compact = _permute(col, jnp.minimum(sel, _LANES - 1))
                new_accs = []
                for k, acc in enumerate(accs):
                    slot = iota + (k * _LANES)
                    rel = slot - total
                    inlo = jnp.where(rel >= 0, one, zero)
                    inhi = jnp.where(rel < cnt, one, zero)
                    val = _permute(compact, jnp.clip(rel, 0, _LANES - 1))
                    new_accs.append(
                        jnp.where(inlo * inhi == 1, val, acc))
                return (total + cnt, *new_accs)

            init = (jnp.zeros((_LANES,), jnp.int32),) + tuple(
                jnp.zeros((_LANES,), jnp.int32) for _ in range(nacc))
            res = lax.fori_loop(0, L // _LANES, group_body, init)
            for k in range(nacc):
                pos_v[pl.ds(k * _LANES, _LANES)] = res[1 + k]

        pltpu.sync_copy(ids_hbm.at[pl.ds(chunk_base, chunk)], ids_c)
        g0 = pltpu.async_copy(
            emb_hbm.at[ids_c.at[pl.ds(0, _SUB)]], bufs[0], gsem)
        pending = g0
        for s in range(nsub):
            pending.wait()
            if s + 1 < nsub:
                pending = pltpu.async_copy(
                    emb_hbm.at[ids_c.at[pl.ds((s + 1) * _SUB, _SUB)]],
                    bufs[(s + 1) % 2], gsem)
            wb = pltpu.async_copy(
                bufs[s % 2], out_hbm.at[pl.ds(chunk_base + s * _SUB, _SUB)],
                wsem)
            wb.wait()

        plsc.subcore_barrier()

        @pl.when(c == 0)
        def _():
            pltpu.sync_copy(prompt_hbm, rows0)
            pltpu.async_copy(rows0, out_hbm.at[pos_v], gsem).wait()

    return sc_kernel


def kernel(input_ids, embedding_table, prompt_param):
    B, L = input_ids.shape
    D = embedding_table.shape[1]
    P = prompt_param.shape[0]
    ids_flat = input_ids.reshape(B * L)
    out = _build(B, L, D, P)(ids_flat, embedding_table, prompt_param)
    return out.reshape(B, L, D)

# --- scband reference (transcript-rebuilt; emitter-appended) ---
"""Pipeline reference for scband-prompt-35837207118425 (READ-ONLY COPY).

The authoritative reference and input builder live on the scoring server;
editing this copy changes nothing except your own understanding.
"""

import jax, jax.numpy as jnp
import numpy as np

B = 4
L = 2048
V = 30522
D = 768
P = 64
PH = 30521
UNK = 100


def setup_inputs(seed: int = 0) -> dict:
    key = jax.random.key(seed)
    k1, k2, k3, k4 = jax.random.split(key, 4)
    # base ids in [0, V-1) so the placeholder id (V-1) never appears accidentally
    input_ids = jax.random.randint(k1, (B, L), 0, V - 1, dtype=jnp.int64 if jax.config.read('jax_enable_x64') else jnp.int32)
    input_ids = input_ids.astype(jnp.int32)
    # choose exactly P distinct placeholder positions per row (required by the module)
    pos = jnp.argsort(jax.random.uniform(k2, (B, L)), axis=1)[:, :P]
    pos = jnp.sort(pos, axis=1)
    input_ids = input_ids.at[jnp.arange(B)[:, None], pos].set(PH)
    # learned parameters: BERT embedding table and the soft-prompt matrix
    embedding_table = jax.random.normal(k3, (V, D), dtype=jnp.float32) * 0.02
    prompt_param = jax.random.normal(k4, (P, D), dtype=jnp.float32)
    return {"input_ids": input_ids, "embedding_table": embedding_table, "prompt_param": prompt_param}


def reference(input_ids, embedding_table, prompt_param):
    bz = input_ids.shape[0]
    mask = input_ids == PH
    # raw_embedding[raw_embedding == placeholder] = unk ; then embed
    raw_ids = jnp.where(mask, UNK, input_ids)
    raw_embedding = jnp.take(embedding_table, raw_ids, axis=0)  # gather [B, L, D]
    # torch.nonzero(...) returns placeholder positions in ascending order per row;
    # stable argsort on (not mask) yields the P placeholder column indices sorted ascending
    prompt_idx = jnp.argsort(jnp.where(mask, 0, 1), axis=1, stable=True)[:, :P]
    prompt_idx = jnp.sort(prompt_idx, axis=1)  # [B, P]
    # scatter-overwrite prompt rows: raw_embedding[b, prompt_idx[b, i], :] = prompt[i, :]
    b_idx = jnp.arange(bz)[:, None]
    vals = jnp.broadcast_to(prompt_param[None, :, :], (bz, P, prompt_param.shape[1]))
    raw_embedding = raw_embedding.at[b_idx, prompt_idx].set(vals)
    return raw_embedding

if __name__ == "__main__":
    import jax
    _d = setup_inputs()
    print(jax.jit(kernel)(*tuple(_d.values())))

</pallas_src>

<mosaic_0001>
#map = affine_map<(d0, d1) -> (0)>
#map1 = affine_map<(d0, d1) -> (0, 0)>
module attributes {stable_mosaic.version = 14 : i64} {
  func.func @sc_kernel(%arg0: i32, %arg1: i32, %arg2: memref<8192xi32, #tpu.memory_space<hbm>>, %arg3: memref<30522x768xf32, #tpu.memory_space<hbm>>, %arg4: memref<64x768xf32, #tpu.memory_space<hbm>>, %arg5: memref<8192x768xf32, #tpu.memory_space<hbm>>, %arg6: memref<256xi32, #tpu.memory_space<vmem>>, %arg7: memref<2048xi32, #tpu.memory_space<vmem>>, %arg8: memref<64x768xf32, #tpu.memory_space<vmem>>, %arg9: memref<64x768xf32, #tpu.memory_space<vmem>>, %arg10: memref<64xi32, #tpu.memory_space<vmem>>, %arg11: memref<!tpu.dma_semaphore, #tpu.memory_space<semaphore_mem>>, %arg12: memref<!tpu.dma_semaphore, #tpu.memory_space<semaphore_mem>>) attributes {dimension_semantics = [#tpu.dimension_semantics<core_parallel>, #tpu.dimension_semantics<subcore_parallel>], iteration_bounds = array<i64: 2, 16>, scalar_prefetch = 0 : i64, scratch_operands = 7 : i64, tpu.core_type = #tpu.core_type<sc_vector_subcore>, window_params = [{transform_indices = #map}, {transform_indices = #map1}, {transform_indices = #map1}, {transform_indices = #map1}]} {
    %mul3A = arith.constant 2 : i32
    %mul3A_0 = arith.muli %arg0, %mul3A : i32
    %jit3A = arith.constant 8 : i32
    %div3A = arith.divsi %arg1, %jit3A : i32
    %sign3A = arith.constant 0 : i32
    %sign3A_1 = arith.cmpi sgt, %arg1, %sign3A : i32
    %sign3A_2 = arith.extui %sign3A_1 : i1 to i32
    %sign3A_3 = arith.constant 0 : i32
    %sign3A_4 = arith.cmpi slt, %arg1, %sign3A_3 : i32
    %sign3A_5 = arith.extui %sign3A_4 : i1 to i32
    %sign3A_6 = arith.subi %sign3A_2, %sign3A_5 : i32
    %sign3A_7 = arith.constant 0 : i32
    %sign3A_8 = arith.cmpi sgt, %jit3A, %sign3A_7 : i32
    %sign3A_9 = arith.extui %sign3A_8 : i1 to i32
    %sign3A_10 = arith.constant 0 : i32
    %sign3A_11 = arith.cmpi slt, %jit3A, %sign3A_10 : i32
    %sign3A_12 = arith.extui %sign3A_11 : i1 to i32
    %sign3A_13 = arith.subi %sign3A_9, %sign3A_12 : i32
    %ne3A = arith.cmpi ne, %sign3A_6, %sign3A_13 : i32
    %rem3A = arith.remsi %arg1, %jit3A : i32
    %ne3A_14 = arith.constant 0 : i32
    %ne3A_15 = arith.cmpi ne, %rem3A, %ne3A_14 : i32
    %and3A = arith.andi %ne3A, %ne3A_15 : i1
    %sub3A = arith.constant 1 : i32
    %sub3A_16 = arith.subi %div3A, %sub3A : i32
    %select_n3A = arith.select %and3A, %sub3A_16, %div3A : i32
    %add3A = arith.addi %mul3A_0, %select_n3A : i32
    %jit3A_17 = arith.constant 8 : i32
    %eq3A = arith.constant 0 : i32
    %eq3A_18 = arith.cmpi eq, %jit3A_17, %eq3A : i32
    %jit3A_19 = arith.constant 1 : i32
    %select_n3A_20 = arith.select %eq3A_18, %jit3A_19, %jit3A_17 : i32
    %rem3A_21 = arith.remsi %arg1, %select_n3A_20 : i32
    %ne3A_22 = arith.constant 0 : i32
    %ne3A_23 = arith.cmpi ne, %rem3A_21, %ne3A_22 : i32
    %lt3A = arith.constant 0 : i32
    %lt3A_24 = arith.cmpi slt, %rem3A_21, %lt3A : i32
    %lt3A_25 = arith.constant 0 : i32
    %lt3A_26 = arith.cmpi slt, %select_n3A_20, %lt3A_25 : i32
    %ne3A_27 = arith.xori %lt3A_24, %lt3A_26 : i1
    %and3A_28 = arith.andi %ne3A_27, %ne3A_23 : i1
    %add3A_29 = arith.addi %rem3A_21, %select_n3A_20 : i32
    %select_n3A_30 = arith.select %and3A_28, %add3A_29, %rem3A_21 : i32
    %mul3A_31 = arith.constant 2048 : i32
    %mul3A_32 = arith.muli %add3A, %mul3A_31 : i32
    %mul3A_33 = arith.constant 256 : i32
    %mul3A_34 = arith.muli %select_n3A_30, %mul3A_33 : i32
    %add3A_35 = arith.addi %mul3A_32, %mul3A_34 : i32
    %eq3A_36 = arith.constant 0 : i32
    %eq3A_37 = arith.cmpi eq, %select_n3A_30, %eq3A_36 : i32
    %convert_element_type3A = arith.extui %eq3A_37 : i1 to i32
    %cond3A = arith.constant 0 : i32
    %cond3A_38 = arith.cmpi ne, %convert_element_type3A, %cond3A : i32
    scf.if %cond3A_38 {
      %mul3A_122 = arith.constant 2048 : i32
      %mul3A_123 = arith.muli %add3A, %mul3A_122 : i32
      "tpu.region"() ({
        %run_scoped3A = tpu.sem_alloc : memref<!tpu.dma_semaphore, #tpu.memory_space<semaphore_mem>>
        %dma_start3A_155 = tpu.memref_slice %arg2[%mul3A_123] : memref<8192xi32, #tpu.memory_space<hbm>> -> memref<2048xi32, #tpu.memory_space<hbm>>
        %dma_start3A_156 = tpu.memref_slice %arg2[%mul3A_123] : memref<8192xi32, #tpu.memory_space<hbm>> -> memref<2048xi32, #tpu.memory_space<hbm>>
        tpu.enqueue_dma source(%dma_start3A_156 : memref<2048xi32, #tpu.memory_space<hbm>>) target(%arg7 : memref<2048xi32, #tpu.memory_space<vmem>>) target_semaphore(%run_scoped3A : memref<!tpu.dma_semaphore, #tpu.memory_space<semaphore_mem>>)
        %dma_wait3A_157 = tpu.memref_slice %arg2[%mul3A_123] : memref<8192xi32, #tpu.memory_space<hbm>> -> memref<2048xi32, #tpu.memory_space<hbm>>
        %dma_wait3A_158 = tpu.memref_slice %arg2[%mul3A_123] : memref<8192xi32, #tpu.memory_space<hbm>> -> memref<2048xi32, #tpu.memory_space<hbm>>
        tpu.wait_dma2 semaphore(%run_scoped3A : memref<!tpu.dma_semaphore, #tpu.memory_space<semaphore_mem>>) src(%dma_wait3A_158 : memref<2048xi32, #tpu.memory_space<hbm>>) dst(%arg7 : memref<2048xi32, #tpu.memory_space<vmem>>)
        tpu.yield
      }) : () -> ()
      %iota3A = tpu.iota {dimensions = array<i32: 0>} : vector<16xi32>
      %broadcast_in_dim3A = arith.constant 0 : i32
      %broadcast_in_dim3A_124 = vector.broadcast %broadcast_in_dim3A : i32 to vector<16xi32>
      %broadcast_in_dim3A_125 = arith.constant 0 : i32
      %broadcast_in_dim3A_126 = vector.broadcast %broadcast_in_dim3A_125 : i32 to vector<16xi32>
      %broadcast_in_dim3A_127 = arith.constant 0 : i32
      %broadcast_in_dim3A_128 = vector.broadcast %broadcast_in_dim3A_127 : i32 to vector<16xi32>
      %broadcast_in_dim3A_129 = arith.constant 0 : i32
      %broadcast_in_dim3A_130 = vector.broadcast %broadcast_in_dim3A_129 : i32 to vector<16xi32>
      %broadcast_in_dim3A_131 = arith.constant 0 : i32
      %broadcast_in_dim3A_132 = vector.broadcast %broadcast_in_dim3A_131 : i32 to vector<16xi32>
      %scan3A = arith.constant 1 : i32
      %scan3A_133 = arith.constant 0 : i32
      %scan3A_134 = arith.constant 0 : i32
      %scan3A_135 = arith.constant 128 : i32
      %scan3A_136 = arith.addi %scan3A_134, %scan3A_135 : i32
      %scan3A_137 = arith.constant 1 : i32
      %scan3A_138:5 = scf.for %scan3A_155 = %scan3A_134 to %scan3A_136 step %scan3A_137 iter_args(%scan3A_156 = %broadcast_in_dim3A_124, %scan3A_157 = %broadcast_in_dim3A_126, %scan3A_158 = %broadcast_in_dim3A_128, %scan3A_159 = %broadcast_in_dim3A_130, %scan3A_160 = %broadcast_in_dim3A_132) -> (vector<16xi32>, vector<16xi32>, vector<16xi32>, vector<16xi32>, vector<16xi32>)  : i32 {
        %mul3A_161 = arith.constant 16 : i32
        %mul3A_162 = arith.muli %scan3A_155, %mul3A_161 : i32
        %get3A = arith.index_cast %mul3A_162 : i32 to index
        %get3A_163 = tpu.vector_load %arg7[%get3A] {strides = array<i32>} : memref<2048xi32, #tpu.memory_space<vmem>>, vector<16xi32>,
        %get3A_164 = vector.shape_cast %get3A_163 : vector<16xi32> to vector<16xi32>
        %eq3A_165 = arith.constant 30521 : i32
        %eq3A_166 = vector.broadcast %eq3A_165 : i32 to vector<16xi32>
        %eq3A_167 = arith.cmpi eq, %get3A_164, %eq3A_166 : vector<16xi32>
        %broadcast_in_dim3A_168 = vector.broadcast %scan3A : i32 to vector<16xi32>
        %broadcast_in_dim3A_169 = vector.broadcast %scan3A_133 : i32 to vector<16xi32>
        %select_n3A_170 = arith.select %eq3A_167, %broadcast_in_dim3A_168, %broadcast_in_dim3A_169 : vector<16xi1>, vector<16xi32>
        %sub3A_171 = arith.constant 1 : i32
        %sub3A_172 = vector.broadcast %sub3A_171 : i32 to vector<16xi32>
        %sub3A_173 = arith.subi %iota3A, %sub3A_172 : vector<16xi32>
        %max3A = arith.constant 0 : i32
        %max3A_174 = vector.broadcast %max3A : i32 to vector<16xi32>
        %max3A_175 = arith.maxsi %sub3A_173, %max3A_174 : vector<16xi32>
        %broadcast_in_dim3A_176 = vector.shape_cast %max3A_175 : vector<16xi32> to vector<16x1xi32>
        %gather3A = vector.shape_cast %broadcast_in_dim3A_176 : vector<16x1xi32> to vector<16xi32>
        %gather3A_177 = tpu.dynamic_gather %select_n3A_170[%gather3A] in [0] : vector<16xi32>, vector<16xi32> -> vector<16xi32>
        %ge3A = arith.constant 1 : i32
        %ge3A_178 = vector.broadcast %ge3A : i32 to vector<16xi32>
        %ge3A_179 = arith.cmpi sge, %iota3A, %ge3A_178 : vector<16xi32>
        %jit3A_180 = arith.constant 1 : i32
        %jit3A_181 = arith.constant 0 : i32
        %broadcast_in_dim3A_182 = vector.broadcast %jit3A_180 : i32 to vector<16xi32>
        %broadcast_in_dim3A_183 = vector.broadcast %jit3A_181 : i32 to vector<16xi32>
        %select_n3A_184 = arith.select %ge3A_179, %broadcast_in_dim3A_182, %broadcast_in_dim3A_183 : vector<16xi1>, vector<16xi32>
        %mul3A_185 = arith.muli %gather3A_177, %select_n3A_184 : vector<16xi32>
        %add3A_186 = arith.addi %select_n3A_170, %mul3A_185 : vector<16xi32>
        %sub3A_187 = arith.constant 2 : i32
        %sub3A_188 = vector.broadcast %sub3A_187 : i32 to vector<16xi32>
        %sub3A_189 = arith.subi %iota3A, %sub3A_188 : vector<16xi32>
        %max3A_190 = arith.constant 0 : i32
        %max3A_191 = vector.broadcast %max3A_190 : i32 to vector<16xi32>
        %max3A_192 = arith.maxsi %sub3A_189, %max3A_191 : vector<16xi32>
        %broadcast_in_dim3A_193 = vector.shape_cast %max3A_192 : vector<16xi32> to vector<16x1xi32>
        %gather3A_194 = vector.shape_cast %broadcast_in_dim3A_193 : vector<16x1xi32> to vector<16xi32>
        %gather3A_195 = tpu.dynamic_gather %add3A_186[%gather3A_194] in [0] : vector<16xi32>, vector<16xi32> -> vector<16xi32>
        %ge3A_196 = arith.constant 2 : i32
        %ge3A_197 = vector.broadcast %ge3A_196 : i32 to vector<16xi32>
        %ge3A_198 = arith.cmpi sge, %iota3A, %ge3A_197 : vector<16xi32>
        %jit3A_199 = arith.constant 1 : i32
        %jit3A_200 = arith.constant 0 : i32
        %broadcast_in_dim3A_201 = vector.broadcast %jit3A_199 : i32 to vector<16xi32>
        %broadcast_in_dim3A_202 = vector.broadcast %jit3A_200 : i32 to vector<16xi32>
        %select_n3A_203 = arith.select %ge3A_198, %broadcast_in_dim3A_201, %broadcast_in_dim3A_202 : vector<16xi1>, vector<16xi32>
        %mul3A_204 = arith.muli %gather3A_195, %select_n3A_203 : vector<16xi32>
        %add3A_205 = arith.addi %add3A_186, %mul3A_204 : vector<16xi32>
        %sub3A_206 = arith.constant 4 : i32
        %sub3A_207 = vector.broadcast %sub3A_206 : i32 to vector<16xi32>
        %sub3A_208 = arith.subi %iota3A, %sub3A_207 : vector<16xi32>
        %max3A_209 = arith.constant 0 : i32
        %max3A_210 = vector.broadcast %max3A_209 : i32 to vector<16xi32>
        %max3A_211 = arith.maxsi %sub3A_208, %max3A_210 : vector<16xi32>
        %broadcast_in_dim3A_212 = vector.shape_cast %max3A_211 : vector<16xi32> to vector<16x1xi32>
        %gather3A_213 = vector.shape_cast %broadcast_in_dim3A_212 : vector<16x1xi32> to vector<16xi32>
        %gather3A_214 = tpu.dynamic_gather %add3A_205[%gather3A_213] in [0] : vector<16xi32>, vector<16xi32> -> vector<16xi32>
        %ge3A_215 = arith.constant 4 : i32
        %ge3A_216 = vector.broadcast %ge3A_215 : i32 to vector<16xi32>
        %ge3A_217 = arith.cmpi sge, %iota3A, %ge3A_216 : vector<16xi32>
        %jit3A_218 = arith.constant 1 : i32
        %jit3A_219 = arith.constant 0 : i32
        %broadcast_in_dim3A_220 = vector.broadcast %jit3A_218 : i32 to vector<16xi32>
        %broadcast_in_dim3A_221 = vector.broadcast %jit3A_219 : i32 to vector<16xi32>
        %select_n3A_222 = arith.select %ge3A_217, %broadcast_in_dim3A_220, %broadcast_in_dim3A_221 : vector<16xi1>, vector<16xi32>
        %mul3A_223 = arith.muli %gather3A_214, %select_n3A_222 : vector<16xi32>
        %add3A_224 = arith.addi %add3A_205, %mul3A_223 : vector<16xi32>
        %sub3A_225 = arith.constant 8 : i32
        %sub3A_226 = vector.broadcast %sub3A_225 : i32 to vector<16xi32>
        %sub3A_227 = arith.subi %iota3A, %sub3A_226 : vector<16xi32>
        %max3A_228 = arith.constant 0 : i32
        %max3A_229 = vector.broadcast %max3A_228 : i32 to vector<16xi32>
        %max3A_230 = arith.maxsi %sub3A_227, %max3A_229 : vector<16xi32>
        %broadcast_in_dim3A_231 = vector.shape_cast %max3A_230 : vector<16xi32> to vector<16x1xi32>
        %gather3A_232 = vector.shape_cast %broadcast_in_dim3A_231 : vector<16x1xi32> to vector<16xi32>
        %gather3A_233 = tpu.dynamic_gather %add3A_224[%gather3A_232] in [0] : vector<16xi32>, vector<16xi32> -> vector<16xi32>
        %ge3A_234 = arith.constant 8 : i32
        %ge3A_235 = vector.broadcast %ge3A_234 : i32 to vector<16xi32>
        %ge3A_236 = arith.cmpi sge, %iota3A, %ge3A_235 : vector<16xi32>
        %jit3A_237 = arith.constant 1 : i32
        %jit3A_238 = arith.constant 0 : i32
        %broadcast_in_dim3A_239 = vector.broadcast %jit3A_237 : i32 to vector<16xi32>
        %broadcast_in_dim3A_240 = vector.broadcast %jit3A_238 : i32 to vector<16xi32>
        %select_n3A_241 = arith.select %ge3A_236, %broadcast_in_dim3A_239, %broadcast_in_dim3A_240 : vector<16xi1>, vector<16xi32>
        %mul3A_242 = arith.muli %gather3A_233, %select_n3A_241 : vector<16xi32>
        %add3A_243 = arith.addi %add3A_224, %mul3A_242 : vector<16xi32>
        %broadcast_in_dim3A_244 = arith.constant 15 : i32
        %broadcast_in_dim3A_245 = vector.broadcast %broadcast_in_dim3A_244 : i32 to vector<16xi32>
        %broadcast_in_dim3A_246 = vector.shape_cast %broadcast_in_dim3A_245 : vector<16xi32> to vector<16x1xi32>
        %gather3A_247 = vector.shape_cast %broadcast_in_dim3A_246 : vector<16x1xi32> to vector<16xi32>
        %gather3A_248 = tpu.dynamic_gather %add3A_243[%gather3A_247] in [0] : vector<16xi32>, vector<16xi32> -> vector<16xi32>
        %broadcast_in_dim3A_249 = arith.constant 0 : i32
        %broadcast_in_dim3A_250 = vector.broadcast %broadcast_in_dim3A_249 : i32 to vector<16xi32>
        %broadcast_in_dim3A_251 = arith.constant 0 : i32
        %broadcast_in_dim3A_252 = vector.broadcast %broadcast_in_dim3A_251 : i32 to vector<16xi32>
        %broadcast_in_dim3A_253 = vector.shape_cast %broadcast_in_dim3A_252 : vector<16xi32> to vector<16x1xi32>
        %gather3A_254 = vector.shape_cast %broadcast_in_dim3A_253 : vector<16x1xi32> to vector<16xi32>
        %gather3A_255 = tpu.dynamic_gather %add3A_243[%gather3A_254] in [0] : vector<16xi32>, vector<16xi32> -> vector<16xi32>
        %le3A = arith.cmpi sle, %gather3A_255, %iota3A : vector<16xi32>
        %broadcast_in_dim3A_256 = vector.broadcast %scan3A : i32 to vector<16xi32>
        %broadcast_in_dim3A_257 = vector.broadcast %scan3A_133 : i32 to vector<16xi32>
        %select_n3A_258 = arith.select %le3A, %broadcast_in_dim3A_256, %broadcast_in_dim3A_257 : vector<16xi1>, vector<16xi32>
        %add3A_259 = arith.addi %broadcast_in_dim3A_250, %select_n3A_258 : vector<16xi32>
        %broadcast_in_dim3A_260 = arith.constant 1 : i32
        %broadcast_in_dim3A_261 = vector.broadcast %broadcast_in_dim3A_260 : i32 to vector<16xi32>
        %broadcast_in_dim3A_262 = vector.shape_cast %broadcast_in_dim3A_261 : vector<16xi32> to vector<16x1xi32>
        %gather3A_263 = vector.shape_cast %broadcast_in_dim3A_262 : vector<16x1xi32> to vector<16xi32>
        %gather3A_264 = tpu.dynamic_gather %add3A_243[%gather3A_263] in [0] : vector<16xi32>, vector<16xi32> -> vector<16xi32>
        %le3A_265 = arith.cmpi sle, %gather3A_264, %iota3A : vector<16xi32>
        %broadcast_in_dim3A_266 = vector.broadcast %scan3A : i32 to vector<16xi32>
        %broadcast_in_dim3A_267 = vector.broadcast %scan3A_133 : i32 to vector<16xi32>
        %select_n3A_268 = arith.select %le3A_265, %broadcast_in_dim3A_266, %broadcast_in_dim3A_267 : vector<16xi1>, vector<16xi32>
        %add3A_269 = arith.addi %add3A_259, %select_n3A_268 : vector<16xi32>
        %broadcast_in_dim3A_270 = arith.constant 2 : i32
        %broadcast_in_dim3A_271 = vector.broadcast %broadcast_in_dim3A_270 : i32 to vector<16xi32>
        %broadcast_in_dim3A_272 = vector.shape_cast %broadcast_in_dim3A_271 : vector<16xi32> to vector<16x1xi32>
        %gather3A_273 = vector.shape_cast %broadcast_in_dim3A_272 : vector<16x1xi32> to vector<16xi32>
        %gather3A_274 = tpu.dynamic_gather %add3A_243[%gather3A_273] in [0] : vector<16xi32>, vector<16xi32> -> vector<16xi32>
        %le3A_275 = arith.cmpi sle, %gather3A_274, %iota3A : vector<16xi32>
        %broadcast_in_dim3A_276 = vector.broadcast %scan3A : i32 to vector<16xi32>
        %broadcast_in_dim3A_277 = vector.broadcast %scan3A_133 : i32 to vector<16xi32>
        %select_n3A_278 = arith.select %le3A_275, %broadcast_in_dim3A_276, %broadcast_in_dim3A_277 : vector<16xi1>, vector<16xi32>
        %add3A_279 = arith.addi %add3A_269, %select_n3A_278 : vector<16xi32>
        %broadcast_in_dim3A_280 = arith.constant 3 : i32
        %broadcast_in_dim3A_281 = vector.broadcast %broadcast_in_dim3A_280 : i32 to vector<16xi32>
        %broadcast_in_dim3A_282 = vector.shape_cast %broadcast_in_dim3A_281 : vector<16xi32> to vector<16x1xi32>
        %gather3A_283 = vector.shape_cast %broadcast_in_dim3A_282 : vector<16x1xi32> to vector<16xi32>
        %gather3A_284 = tpu.dynamic_gather %add3A_243[%gather3A_283] in [0] : vector<16xi32>, vector<16xi32> -> vector<16xi32>
        %le3A_285 = arith.cmpi sle, %gather3A_284, %iota3A : vector<16xi32>
        %broadcast_in_dim3A_286 = vector.broadcast %scan3A : i32 to vector<16xi32>
        %broadcast_in_dim3A_287 = vector.broadcast %scan3A_133 : i32 to vector<16xi32>
        %select_n3A_288 = arith.select %le3A_285, %broadcast_in_dim3A_286, %broadcast_in_dim3A_287 : vector<16xi1>, vector<16xi32>
        %add3A_289 = arith.addi %add3A_279, %select_n3A_288 : vector<16xi32>
        %broadcast_in_dim3A_290 = arith.constant 4 : i32
        %broadcast_in_dim3A_291 = vector.broadcast %broadcast_in_dim3A_290 : i32 to vector<16xi32>
        %broadcast_in_dim3A_292 = vector.shape_cast %broadcast_in_dim3A_291 : vector<16xi32> to vector<16x1xi32>
        %gather3A_293 = vector.shape_cast %broadcast_in_dim3A_292 : vector<16x1xi32> to vector<16xi32>
        %gather3A_294 = tpu.dynamic_gather %add3A_243[%gather3A_293] in [0] : vector<16xi32>, vector<16xi32> -> vector<16xi32>
        %le3A_295 = arith.cmpi sle, %gather3A_294, %iota3A : vector<16xi32>
        %broadcast_in_dim3A_296 = vector.broadcast %scan3A : i32 to vector<16xi32>
        %broadcast_in_dim3A_297 = vector.broadcast %scan3A_133 : i32 to vector<16xi32>
        %select_n3A_298 = arith.select %le3A_295, %broadcast_in_dim3A_296, %broadcast_in_dim3A_297 : vector<16xi1>, vector<16xi32>
        %add3A_299 = arith.addi %add3A_289, %select_n3A_298 : vector<16xi32>
        %broadcast_in_dim3A_300 = arith.constant 5 : i32
        %broadcast_in_dim3A_301 = vector.broadcast %broadcast_in_dim3A_300 : i32 to vector<16xi32>
        %broadcast_in_dim3A_302 = vector.shape_cast %broadcast_in_dim3A_301 : vector<16xi32> to vector<16x1xi32>
        %gather3A_303 = vector.shape_cast %broadcast_in_dim3A_302 : vector<16x1xi32> to vector<16xi32>
        %gather3A_304 = tpu.dynamic_gather %add3A_243[%gather3A_303] in [0] : vector<16xi32>, vector<16xi32> -> vector<16xi32>
        %le3A_305 = arith.cmpi sle, %gather3A_304, %iota3A : vector<16xi32>
        %broadcast_in_dim3A_306 = vector.broadcast %scan3A : i32 to vector<16xi32>
        %broadcast_in_dim3A_307 = vector.broadcast %scan3A_133 : i32 to vector<16xi32>
        %select_n3A_308 = arith.select %le3A_305, %broadcast_in_dim3A_306, %broadcast_in_dim3A_307 : vector<16xi1>, vector<16xi32>
        %add3A_309 = arith.addi %add3A_299, %select_n3A_308 : vector<16xi32>
        %broadcast_in_dim3A_310 = arith.constant 6 : i32
        %broadcast_in_dim3A_311 = vector.broadcast %broadcast_in_dim3A_310 : i32 to vector<16xi32>
        %broadcast_in_dim3A_312 = vector.shape_cast %broadcast_in_dim3A_311 : vector<16xi32> to vector<16x1xi32>
        %gather3A_313 = vector.shape_cast %broadcast_in_dim3A_312 : vector<16x1xi32> to vector<16xi32>
        %gather3A_314 = tpu.dynamic_gather %add3A_243[%gather3A_313] in [0] : vector<16xi32>, vector<16xi32> -> vector<16xi32>
        %le3A_315 = arith.cmpi sle, %gather3A_314, %iota3A : vector<16xi32>
        %broadcast_in_dim3A_316 = vector.broadcast %scan3A : i32 to vector<16xi32>
        %broadcast_in_dim3A_317 = vector.broadcast %scan3A_133 : i32 to vector<16xi32>
        %select_n3A_318 = arith.select %le3A_315, %broadcast_in_dim3A_316, %broadcast_in_dim3A_317 : vector<16xi1>, vector<16xi32>
        %add3A_319 = arith.addi %add3A_309, %select_n3A_318 : vector<16xi32>
        %broadcast_in_dim3A_320 = arith.constant 7 : i32
        %broadcast_in_dim3A_321 = vector.broadcast %broadcast_in_dim3A_320 : i32 to vector<16xi32>
        %broadcast_in_dim3A_322 = vector.shape_cast %broadcast_in_dim3A_321 : vector<16xi32> to vector<16x1xi32>
        %gather3A_323 = vector.shape_cast %broadcast_in_dim3A_322 : vector<16x1xi32> to vector<16xi32>
        %gather3A_324 = tpu.dynamic_gather %add3A_243[%gather3A_323] in [0] : vector<16xi32>, vector<16xi32> -> vector<16xi32>
        %le3A_325 = arith.cmpi sle, %gather3A_324, %iota3A : vector<16xi32>
        %broadcast_in_dim3A_326 = vector.broadcast %scan3A : i32 to vector<16xi32>
        %broadcast_in_dim3A_327 = vector.broadcast %scan3A_133 : i32 to vector<16xi32>
        %select_n3A_328 = arith.select %le3A_325, %broadcast_in_dim3A_326, %broadcast_in_dim3A_327 : vector<16xi1>, vector<16xi32>
        %add3A_329 = arith.addi %add3A_319, %select_n3A_328 : vector<16xi32>
        %broadcast_in_dim3A_330 = arith.constant 8 : i32
        %broadcast_in_dim3A_331 = vector.broadcast %broadcast_in_dim3A_330 : i32 to vector<16xi32>
        %broadcast_in_dim3A_332 = vector.shape_cast %broadcast_in_dim3A_331 : vector<16xi32> to vector<16x1xi32>
        %gather3A_333 = vector.shape_cast %broadcast_in_dim3A_332 : vector<16x1xi32> to vector<16xi32>
        %gather3A_334 = tpu.dynamic_gather %add3A_243[%gather3A_333] in [0] : vector<16xi32>, vector<16xi32> -> vector<16xi32>
        %le3A_335 = arith.cmpi sle, %gather3A_334, %iota3A : vector<16xi32>
        %broadcast_in_dim3A_336 = vector.broadcast %scan3A : i32 to vector<16xi32>
        %broadcast_in_dim3A_337 = vector.broadcast %scan3A_133 : i32 to vector<16xi32>
        %select_n3A_338 = arith.select %le3A_335, %broadcast_in_dim3A_336, %broadcast_in_dim3A_337 : vector<16xi1>, vector<16xi32>
        %add3A_339 = arith.addi %add3A_329, %select_n3A_338 : vector<16xi32>
        %broadcast_in_dim3A_340 = arith.constant 9 : i32
        %broadcast_in_dim3A_341 = vector.broadcast %broadcast_in_dim3A_340 : i32 to vector<16xi32>
        %broadcast_in_dim3A_342 = vector.shape_cast %broadcast_in_dim3A_341 : vector<16xi32> to vector<16x1xi32>
        %gather3A_343 = vector.shape_cast %broadcast_in_dim3A_342 : vector<16x1xi32> to vector<16xi32>
        %gather3A_344 = tpu.dynamic_gather %add3A_243[%gather3A_343] in [0] : vector<16xi32>, vector<16xi32> -> vector<16xi32>
        %le3A_345 = arith.cmpi sle, %gather3A_344, %iota3A : vector<16xi32>
        %broadcast_in_dim3A_346 = vector.broadcast %scan3A : i32 to vector<16xi32>
        %broadcast_in_dim3A_347 = vector.broadcast %scan3A_133 : i32 to vector<16xi32>
        %select_n3A_348 = arith.select %le3A_345, %broadcast_in_dim3A_346, %broadcast_in_dim3A_347 : vector<16xi1>, vector<16xi32>
        %add3A_349 = arith.addi %add3A_339, %select_n3A_348 : vector<16xi32>
        %broadcast_in_dim3A_350 = arith.constant 10 : i32
        %broadcast_in_dim3A_351 = vector.broadcast %broadcast_in_dim3A_350 : i32 to vector<16xi32>
        %broadcast_in_dim3A_352 = vector.shape_cast %broadcast_in_dim3A_351 : vector<16xi32> to vector<16x1xi32>
        %gather3A_353 = vector.shape_cast %broadcast_in_dim3A_352 : vector<16x1xi32> to vector<16xi32>
        %gather3A_354 = tpu.dynamic_gather %add3A_243[%gather3A_353] in [0] : vector<16xi32>, vector<16xi32> -> vector<16xi32>
        %le3A_355 = arith.cmpi sle, %gather3A_354, %iota3A : vector<16xi32>
        %broadcast_in_dim3A_356 = vector.broadcast %scan3A : i32 to vector<16xi32>
        %broadcast_in_dim3A_357 = vector.broadcast %scan3A_133 : i32 to vector<16xi32>
        %select_n3A_358 = arith.select %le3A_355, %broadcast_in_dim3A_356, %broadcast_in_dim3A_357 : vector<16xi1>, vector<16xi32>
        %add3A_359 = arith.addi %add3A_349, %select_n3A_358 : vector<16xi32>
        %broadcast_in_dim3A_360 = arith.constant 11 : i32
        %broadcast_in_dim3A_361 = vector.broadcast %broadcast_in_dim3A_360 : i32 to vector<16xi32>
        %broadcast_in_dim3A_362 = vector.shape_cast %broadcast_in_dim3A_361 : vector<16xi32> to vector<16x1xi32>
        %gather3A_363 = vector.shape_cast %broadcast_in_dim3A_362 : vector<16x1xi32> to vector<16xi32>
        %gather3A_364 = tpu.dynamic_gather %add3A_243[%gather3A_363] in [0] : vector<16xi32>, vector<16xi32> -> vector<16xi32>
        %le3A_365 = arith.cmpi sle, %gather3A_364, %iota3A : vector<16xi32>
        %broadcast_in_dim3A_366 = vector.broadcast %scan3A : i32 to vector<16xi32>
        %broadcast_in_dim3A_367 = vector.broadcast %scan3A_133 : i32 to vector<16xi32>
        %select_n3A_368 = arith.select %le3A_365, %broadcast_in_dim3A_366, %broadcast_in_dim3A_367 : vector<16xi1>, vector<16xi32>
        %add3A_369 = arith.addi %add3A_359, %select_n3A_368 : vector<16xi32>
        %broadcast_in_dim3A_370 = arith.constant 12 : i32
        %broadcast_in_dim3A_371 = vector.broadcast %broadcast_in_dim3A_370 : i32 to vector<16xi32>
        %broadcast_in_dim3A_372 = vector.shape_cast %broadcast_in_dim3A_371 : vector<16xi32> to vector<16x1xi32>
        %gather3A_373 = vector.shape_cast %broadcast_in_dim3A_372 : vector<16x1xi32> to vector<16xi32>
        %gather3A_374 = tpu.dynamic_gather %add3A_243[%gather3A_373] in [0] : vector<16xi32>, vector<16xi32> -> vector<16xi32>
        %le3A_375 = arith.cmpi sle, %gather3A_374, %iota3A : vector<16xi32>
        %broadcast_in_dim3A_376 = vector.broadcast %scan3A : i32 to vector<16xi32>
        %broadcast_in_dim3A_377 = vector.broadcast %scan3A_133 : i32 to vector<16xi32>
        %select_n3A_378 = arith.select %le3A_375, %broadcast_in_dim3A_376, %broadcast_in_dim3A_377 : vector<16xi1>, vector<16xi32>
        %add3A_379 = arith.addi %add3A_369, %select_n3A_378 : vector<16xi32>
        %broadcast_in_dim3A_380 = arith.constant 13 : i32
        %broadcast_in_dim3A_381 = vector.broadcast %broadcast_in_dim3A_380 : i32 to vector<16xi32>
        %broadcast_in_dim3A_382 = vector.shape_cast %broadcast_in_dim3A_381 : vector<16xi32> to vector<16x1xi32>
        %gather3A_383 = vector.shape_cast %broadcast_in_dim3A_382 : vector<16x1xi32> to vector<16xi32>
        %gather3A_384 = tpu.dynamic_gather %add3A_243[%gather3A_383] in [0] : vector<16xi32>, vector<16xi32> -> vector<16xi32>
        %le3A_385 = arith.cmpi sle, %gather3A_384, %iota3A : vector<16xi32>
        %broadcast_in_dim3A_386 = vector.broadcast %scan3A : i32 to vector<16xi32>
        %broadcast_in_dim3A_387 = vector.broadcast %scan3A_133 : i32 to vector<16xi32>
        %select_n3A_388 = arith.select %le3A_385, %broadcast_in_dim3A_386, %broadcast_in_dim3A_387 : vector<16xi1>, vector<16xi32>
        %add3A_389 = arith.addi %add3A_379, %select_n3A_388 : vector<16xi32>
        %broadcast_in_dim3A_390 = arith.constant 14 : i32
        %broadcast_in_dim3A_391 = vector.broadcast %broadcast_in_dim3A_390 : i32 to vector<16xi32>
        %broadcast_in_dim3A_392 = vector.shape_cast %broadcast_in_dim3A_391 : vector<16xi32> to vector<16x1xi32>
        %gather3A_393 = vector.shape_cast %broadcast_in_dim3A_392 : vector<16x1xi32> to vector<16xi32>
        %gather3A_394 = tpu.dynamic_gather %add3A_243[%gather3A_393] in [0] : vector<16xi32>, vector<16xi32> -> vector<16xi32>
        %le3A_395 = arith.cmpi sle, %gather3A_394, %iota3A : vector<16xi32>
        %broadcast_in_dim3A_396 = vector.broadcast %scan3A : i32 to vector<16xi32>
        %broadcast_in_dim3A_397 = vector.broadcast %scan3A_133 : i32 to vector<16xi32>
        %select_n3A_398 = arith.select %le3A_395, %broadcast_in_dim3A_396, %broadcast_in_dim3A_397 : vector<16xi1>, vector<16xi32>
        %add3A_399 = arith.addi %add3A_389, %select_n3A_398 : vector<16xi32>
        %broadcast_in_dim3A_400 = arith.constant 15 : i32
        %broadcast_in_dim3A_401 = vector.broadcast %broadcast_in_dim3A_400 : i32 to vector<16xi32>
        %broadcast_in_dim3A_402 = vector.shape_cast %broadcast_in_dim3A_401 : vector<16xi32> to vector<16x1xi32>
        %gather3A_403 = vector.shape_cast %broadcast_in_dim3A_402 : vector<16x1xi32> to vector<16xi32>
        %gather3A_404 = tpu.dynamic_gather %add3A_243[%gather3A_403] in [0] : vector<16xi32>, vector<16xi32> -> vector<16xi32>
        %le3A_405 = arith.cmpi sle, %gather3A_404, %iota3A : vector<16xi32>
        %broadcast_in_dim3A_406 = vector.broadcast %scan3A : i32 to vector<16xi32>
        %broadcast_in_dim3A_407 = vector.broadcast %scan3A_133 : i32 to vector<16xi32>
        %select_n3A_408 = arith.select %le3A_405, %broadcast_in_dim3A_406, %broadcast_in_dim3A_407 : vector<16xi1>, vector<16xi32>
        %add3A_409 = arith.addi %add3A_399, %select_n3A_408 : vector<16xi32>
        %mul3A_410 = arith.constant 2048 : i32
        %mul3A_411 = arith.muli %add3A, %mul3A_410 : i32
        %broadcast_in_dim3A_412 = vector.broadcast %mul3A_411 : i32 to vector<16xi32>
        %mul3A_413 = arith.constant 16 : i32
        %mul3A_414 = arith.muli %scan3A_155, %mul3A_413 : i32
        %add3A_415 = vector.broadcast %mul3A_414 : i32 to vector<16xi32>
        %add3A_416 = arith.addi %broadcast_in_dim3A_412, %add3A_415 : vector<16xi32>
        %add3A_417 = arith.addi %add3A_416, %iota3A : vector<16xi32>
        %min3A = arith.constant 15 : i32
        %min3A_418 = vector.broadcast %min3A : i32 to vector<16xi32>
        %min3A_419 = arith.minsi %add3A_409, %min3A_418 : vector<16xi32>
        %broadcast_in_dim3A_420 = vector.shape_cast %min3A_419 : vector<16xi32> to vector<16x1xi32>
        %gather3A_421 = vector.shape_cast %broadcast_in_dim3A_420 : vector<16x1xi32> to vector<16xi32>
        %gather3A_422 = tpu.dynamic_gather %add3A_417[%gather3A_421] in [0] : vector<16xi32>, vector<16xi32> -> vector<16xi32>
        %add3A_423 = arith.constant 0 : i32
        %add3A_424 = vector.broadcast %add3A_423 : i32 to vector<16xi32>
        %add3A_425 = arith.addi %iota3A, %add3A_424 : vector<16xi32>
        %sub3A_426 = arith.subi %add3A_425, %scan3A_156 : vector<16xi32>
        %ge3A_427 = arith.constant 0 : i32
        %ge3A_428 = vector.broadcast %ge3A_427 : i32 to vector<16xi32>
        %ge3A_429 = arith.cmpi sge, %sub3A_426, %ge3A_428 : vector<16xi32>
        %broadcast_in_dim3A_430 = vector.broadcast %scan3A : i32 to vector<16xi32>
        %broadcast_in_dim3A_431 = vector.broadcast %scan3A_133 : i32 to vector<16xi32>
        %select_n3A_432 = arith.select %ge3A_429, %broadcast_in_dim3A_430, %broadcast_in_dim3A_431 : vector<16xi1>, vector<16xi32>
        %lt3A_433 = arith.cmpi slt, %sub3A_426, %gather3A_248 : vector<16xi32>
        %broadcast_in_dim3A_434 = vector.broadcast %scan3A : i32 to vector<16xi32>
        %broadcast_in_dim3A_435 = vector.broadcast %scan3A_133 : i32 to vector<16xi32>
        %select_n3A_436 = arith.select %lt3A_433, %broadcast_in_dim3A_434, %broadcast_in_dim3A_435 : vector<16xi1>, vector<16xi32>
        %jit3A_437 = arith.constant 0 : i32
        %jit3A_438 = arith.constant 15 : i32
        %max3A_439 = vector.broadcast %jit3A_437 : i32 to vector<16xi32>
        %max3A_440 = arith.maxsi %max3A_439, %sub3A_426 : vector<16xi32>
        %min3A_441 = vector.broadcast %jit3A_438 : i32 to vector<16xi32>
        %min3A_442 = arith.minsi %min3A_441, %max3A_440 : vector<16xi32>
        %broadcast_in_dim3A_443 = vector.shape_cast %min3A_442 : vector<16xi32> to vector<16x1xi32>
        %gather3A_444 = vector.shape_cast %broadcast_in_dim3A_443 : vector<16x1xi32> to vector<16xi32>
        %gather3A_445 = tpu.dynamic_gather %gather3A_422[%gather3A_444] in [0] : vector<16xi32>, vector<16xi32> -> vector<16xi32>
        %mul3A_446 = arith.muli %select_n3A_432, %select_n3A_436 : vector<16xi32>
        %eq3A_447 = arith.constant 1 : i32
        %eq3A_448 = vector.broadcast %eq3A_447 : i32 to vector<16xi32>
        %eq3A_449 = arith.cmpi eq, %mul3A_446, %eq3A_448 : vector<16xi32>
        %select_n3A_450 = arith.select %eq3A_449, %gather3A_445, %scan3A_157 : vector<16xi1>, vector<16xi32>
        %add3A_451 = arith.constant 16 : i32
        %add3A_452 = vector.broadcast %add3A_451 : i32 to vector<16xi32>
        %add3A_453 = arith.addi %iota3A, %add3A_452 : vector<16xi32>
        %sub3A_454 = arith.subi %add3A_453, %scan3A_156 : vector<16xi32>
        %ge3A_455 = arith.constant 0 : i32
        %ge3A_456 = vector.broadcast %ge3A_455 : i32 to vector<16xi32>
        %ge3A_457 = arith.cmpi sge, %sub3A_454, %ge3A_456 : vector<16xi32>
        %broadcast_in_dim3A_458 = vector.broadcast %scan3A : i32 to vector<16xi32>
        %broadcast_in_dim3A_459 = vector.broadcast %scan3A_133 : i32 to vector<16xi32>
        %select_n3A_460 = arith.select %ge3A_457, %broadcast_in_dim3A_458, %broadcast_in_dim3A_459 : vector<16xi1>, vector<16xi32>
        %lt3A_461 = arith.cmpi slt, %sub3A_454, %gather3A_248 : vector<16xi32>
        %broadcast_in_dim3A_462 = vector.broadcast %scan3A : i32 to vector<16xi32>
        %broadcast_in_dim3A_463 = vector.broadcast %scan3A_133 : i32 to vector<16xi32>
        %select_n3A_464 = arith.select %lt3A_461, %broadcast_in_dim3A_462, %broadcast_in_dim3A_463 : vector<16xi1>, vector<16xi32>
        %jit3A_465 = arith.constant 0 : i32
        %jit3A_466 = arith.constant 15 : i32
        %max3A_467 = vector.broadcast %jit3A_465 : i32 to vector<16xi32>
        %max3A_468 = arith.maxsi %max3A_467, %sub3A_454 : vector<16xi32>
        %min3A_469 = vector.broadcast %jit3A_466 : i32 to vector<16xi32>
        %min3A_470 = arith.minsi %min3A_469, %max3A_468 : vector<16xi32>
        %broadcast_in_dim3A_471 = vector.shape_cast %min3A_470 : vector<16xi32> to vector<16x1xi32>
        %gather3A_472 = vector.shape_cast %broadcast_in_dim3A_471 : vector<16x1xi32> to vector<16xi32>
        %gather3A_473 = tpu.dynamic_gather %gather3A_422[%gather3A_472] in [0] : vector<16xi32>, vector<16xi32> -> vector<16xi32>
        %mul3A_474 = arith.muli %select_n3A_460, %select_n3A_464 : vector<16xi32>
        %eq3A_475 = arith.constant 1 : i32
        %eq3A_476 = vector.broadcast %eq3A_475 : i32 to vector<16xi32>
        %eq3A_477 = arith.cmpi eq, %mul3A_474, %eq3A_476 : vector<16xi32>
        %select_n3A_478 = arith.select %eq3A_477, %gather3A_473, %scan3A_158 : vector<16xi1>, vector<16xi32>
        %add3A_479 = arith.constant 32 : i32
        %add3A_480 = vector.broadcast %add3A_479 : i32 to vector<16xi32>
        %add3A_481 = arith.addi %iota3A, %add3A_480 : vector<16xi32>
        %sub3A_482 = arith.subi %add3A_481, %scan3A_156 : vector<16xi32>
        %ge3A_483 = arith.constant 0 : i32
        %ge3A_484 = vector.broadcast %ge3A_483 : i32 to vector<16xi32>
        %ge3A_485 = arith.cmpi sge, %sub3A_482, %ge3A_484 : vector<16xi32>
        %broadcast_in_dim3A_486 = vector.broadcast %scan3A : i32 to vector<16xi32>
        %broadcast_in_dim3A_487 = vector.broadcast %scan3A_133 : i32 to vector<16xi32>
        %select_n3A_488 = arith.select %ge3A_485, %broadcast_in_dim3A_486, %broadcast_in_dim3A_487 : vector<16xi1>, vector<16xi32>
        %lt3A_489 = arith.cmpi slt, %sub3A_482, %gather3A_248 : vector<16xi32>
        %broadcast_in_dim3A_490 = vector.broadcast %scan3A : i32 to vector<16xi32>
        %broadcast_in_dim3A_491 = vector.broadcast %scan3A_133 : i32 to vector<16xi32>
        %select_n3A_492 = arith.select %lt3A_489, %broadcast_in_dim3A_490, %broadcast_in_dim3A_491 : vector<16xi1>, vector<16xi32>
        %jit3A_493 = arith.constant 0 : i32
        %jit3A_494 = arith.constant 15 : i32
        %max3A_495 = vector.broadcast %jit3A_493 : i32 to vector<16xi32>
        %max3A_496 = arith.maxsi %max3A_495, %sub3A_482 : vector<16xi32>
        %min3A_497 = vector.broadcast %jit3A_494 : i32 to vector<16xi32>
        %min3A_498 = arith.minsi %min3A_497, %max3A_496 : vector<16xi32>
        %broadcast_in_dim3A_499 = vector.shape_cast %min3A_498 : vector<16xi32> to vector<16x1xi32>
        %gather3A_500 = vector.shape_cast %broadcast_in_dim3A_499 : vector<16x1xi32> to vector<16xi32>
        %gather3A_501 = tpu.dynamic_gather %gather3A_422[%gather3A_500] in [0] : vector<16xi32>, vector<16xi32> -> vector<16xi32>
        %mul3A_502 = arith.muli %select_n3A_488, %select_n3A_492 : vector<16xi32>
        %eq3A_503 = arith.constant 1 : i32
        %eq3A_504 = vector.broadcast %eq3A_503 : i32 to vector<16xi32>
        %eq3A_505 = arith.cmpi eq, %mul3A_502, %eq3A_504 : vector<16xi32>
        %select_n3A_506 = arith.select %eq3A_505, %gather3A_501, %scan3A_159 : vector<16xi1>, vector<16xi32>
        %add3A_507 = arith.constant 48 : i32
        %add3A_508 = vector.broadcast %add3A_507 : i32 to vector<16xi32>
        %add3A_509 = arith.addi %iota3A, %add3A_508 : vector<16xi32>
        %sub3A_510 = arith.subi %add3A_509, %scan3A_156 : vector<16xi32>
        %ge3A_511 = arith.constant 0 : i32
        %ge3A_512 = vector.broadcast %ge3A_511 : i32 to vector<16xi32>
        %ge3A_513 = arith.cmpi sge, %sub3A_510, %ge3A_512 : vector<16xi32>
        %broadcast_in_dim3A_514 = vector.broadcast %scan3A : i32 to vector<16xi32>
        %broadcast_in_dim3A_515 = vector.broadcast %scan3A_133 : i32 to vector<16xi32>
        %select_n3A_516 = arith.select %ge3A_513, %broadcast_in_dim3A_514, %broadcast_in_dim3A_515 : vector<16xi1>, vector<16xi32>
        %lt3A_517 = arith.cmpi slt, %sub3A_510, %gather3A_248 : vector<16xi32>
        %broadcast_in_dim3A_518 = vector.broadcast %scan3A : i32 to vector<16xi32>
        %broadcast_in_dim3A_519 = vector.broadcast %scan3A_133 : i32 to vector<16xi32>
        %select_n3A_520 = arith.select %lt3A_517, %broadcast_in_dim3A_518, %broadcast_in_dim3A_519 : vector<16xi1>, vector<16xi32>
        %jit3A_521 = arith.constant 0 : i32
        %jit3A_522 = arith.constant 15 : i32
        %max3A_523 = vector.broadcast %jit3A_521 : i32 to vector<16xi32>
        %max3A_524 = arith.maxsi %max3A_523, %sub3A_510 : vector<16xi32>
        %min3A_525 = vector.broadcast %jit3A_522 : i32 to vector<16xi32>
        %min3A_526 = arith.minsi %min3A_525, %max3A_524 : vector<16xi32>
        %broadcast_in_dim3A_527 = vector.shape_cast %min3A_526 : vector<16xi32> to vector<16x1xi32>
        %gather3A_528 = vector.shape_cast %broadcast_in_dim3A_527 : vector<16x1xi32> to vector<16xi32>
        %gather3A_529 = tpu.dynamic_gather %gather3A_422[%gather3A_528] in [0] : vector<16xi32>, vector<16xi32> -> vector<16xi32>
        %mul3A_530 = arith.muli %select_n3A_516, %select_n3A_520 : vector<16xi32>
        %eq3A_531 = arith.constant 1 : i32
        %eq3A_532 = vector.broadcast %eq3A_531 : i32 to vector<16xi32>
        %eq3A_533 = arith.cmpi eq, %mul3A_530, %eq3A_532 : vector<16xi32>
        %select_n3A_534 = arith.select %eq3A_533, %gather3A_529, %scan3A_160 : vector<16xi1>, vector<16xi32>
        %add3A_535 = arith.addi %scan3A_156, %gather3A_248 : vector<16xi32>
        scf.yield %add3A_535, %select_n3A_450, %select_n3A_478, %select_n3A_506, %select_n3A_534 : vector<16xi32>, vector<16xi32>, vector<16xi32>, vector<16xi32>, vector<16xi32>
      }
      %scan3A_139 = arith.constant 128 : i32
      %swap3A = arith.constant 0 : index
      %swap3A_140 = tpu.vector_load %arg10[%swap3A] {strides = array<i32>} : memref<64xi32, #tpu.memory_space<vmem>>, vector<16xi32>,
      %swap3A_141 = vector.shape_cast %swap3A_140 : vector<16xi32> to vector<16xi32>
      %swap3A_142 = vector.shape_cast %scan3A_138#1 : vector<16xi32> to vector<16xi32>
      tpu.vector_store %arg10[%swap3A], %swap3A_142 {strides = array<i32>} : memref<64xi32, #tpu.memory_space<vmem>>, vector<16xi32>,
      %swap3A_143 = arith.constant 16 : index
      %swap3A_144 = tpu.vector_load %arg10[%swap3A_143] {strides = array<i32>} : memref<64xi32, #tpu.memory_space<vmem>>, vector<16xi32>,
      %swap3A_145 = vector.shape_cast %swap3A_144 : vector<16xi32> to vector<16xi32>
      %swap3A_146 = vector.shape_cast %scan3A_138#2 : vector<16xi32> to vector<16xi32>
      tpu.vector_store %arg10[%swap3A_143], %swap3A_146 {strides = array<i32>} : memref<64xi32, #tpu.memory_space<vmem>>, vector<16xi32>,
      %swap3A_147 = arith.constant 32 : index
      %swap3A_148 = tpu.vector_load %arg10[%swap3A_147] {strides = array<i32>} : memref<64xi32, #tpu.memory_space<vmem>>, vector<16xi32>,
      %swap3A_149 = vector.shape_cast %swap3A_148 : vector<16xi32> to vector<16xi32>
      %swap3A_150 = vector.shape_cast %scan3A_138#3 : vector<16xi32> to vector<16xi32>
      tpu.vector_store %arg10[%swap3A_147], %swap3A_150 {strides = array<i32>} : memref<64xi32, #tpu.memory_space<vmem>>, vector<16xi32>,
      %swap3A_151 = arith.constant 48 : index
      %swap3A_152 = tpu.vector_load %arg10[%swap3A_151] {strides = array<i32>} : memref<64xi32, #tpu.memory_space<vmem>>, vector<16xi32>,
      %swap3A_153 = vector.shape_cast %swap3A_152 : vector<16xi32> to vector<16xi32>
      %swap3A_154 = vector.shape_cast %scan3A_138#4 : vector<16xi32> to vector<16xi32>
      tpu.vector_store %arg10[%swap3A_151], %swap3A_154 {strides = array<i32>} : memref<64xi32, #tpu.memory_space<vmem>>, vector<16xi32>,
    } else {
    }
    "tpu.region"() ({
      %run_scoped3A = tpu.sem_alloc : memref<!tpu.dma_semaphore, #tpu.memory_space<semaphore_mem>>
      %dma_start3A_122 = tpu.memref_slice %arg2[%add3A_35] : memref<8192xi32, #tpu.memory_space<hbm>> -> memref<256xi32, #tpu.memory_space<hbm>>
      %dma_start3A_123 = tpu.memref_slice %arg2[%add3A_35] : memref<8192xi32, #tpu.memory_space<hbm>> -> memref<256xi32, #tpu.memory_space<hbm>>
      tpu.enqueue_dma source(%dma_start3A_123 : memref<256xi32, #tpu.memory_space<hbm>>) target(%arg6 : memref<256xi32, #tpu.memory_space<vmem>>) target_semaphore(%run_scoped3A : memref<!tpu.dma_semaphore, #tpu.memory_space<semaphore_mem>>)
      %dma_wait3A_124 = tpu.memref_slice %arg2[%add3A_35] : memref<8192xi32, #tpu.memory_space<hbm>> -> memref<256xi32, #tpu.memory_space<hbm>>
      %dma_wait3A_125 = tpu.memref_slice %arg2[%add3A_35] : memref<8192xi32, #tpu.memory_space<hbm>> -> memref<256xi32, #tpu.memory_space<hbm>>
      tpu.wait_dma2 semaphore(%run_scoped3A : memref<!tpu.dma_semaphore, #tpu.memory_space<semaphore_mem>>) src(%dma_wait3A_125 : memref<256xi32, #tpu.memory_space<hbm>>) dst(%arg6 : memref<256xi32, #tpu.memory_space<vmem>>)
      tpu.yield
    }) : () -> ()
    %dma_start3A = arith.constant 0 : i32
    %dma_start3A_39 = tpu.memref_slice %arg6[%dma_start3A] : memref<256xi32, #tpu.memory_space<vmem>> -> memref<64xi32, #tpu.memory_space<vmem>>
    %dma_start3A_40 = arith.constant 0 : i32
    %dma_start3A_41 = arith.constant 0 : i32
    %dma_start3A_42 = tpu.memref_slice %arg3[%dma_start3A_40, %dma_start3A_41] : memref<30522x768xf32, #tpu.memory_space<hbm>> -> memref<30522x768xf32, #tpu.memory_space<hbm>>
    tpu.enqueue_indirect_dma source(%dma_start3A_42 : memref<30522x768xf32, #tpu.memory_space<hbm>>) target(%arg8 : memref<64x768xf32, #tpu.memory_space<vmem>>) offsets(%dma_start3A_39 : memref<64xi32, #tpu.memory_space<vmem>>) semaphore(%arg11 : memref<!tpu.dma_semaphore, #tpu.memory_space<semaphore_mem>>)
    %dma_wait3A = arith.constant 0 : i32
    %dma_wait3A_43 = tpu.memref_slice %arg6[%dma_wait3A] : memref<256xi32, #tpu.memory_space<vmem>> -> memref<64xi32, #tpu.memory_space<vmem>>
    %dma_wait3A_44 = arith.constant 0 : i32
    %dma_wait3A_45 = arith.constant 0 : i32
    %dma_wait3A_46 = tpu.memref_slice %arg3[%dma_wait3A_44, %dma_wait3A_45] : memref<30522x768xf32, #tpu.memory_space<hbm>> -> memref<30522x768xf32, #tpu.memory_space<hbm>>
    tpu.wait_indirect_dma semaphore(%arg11 : memref<!tpu.dma_semaphore, #tpu.memory_space<semaphore_mem>>) src(%dma_wait3A_46 : memref<30522x768xf32, #tpu.memory_space<hbm>>) dst(%arg8 : memref<64x768xf32, #tpu.memory_space<vmem>>)
    %dma_start3A_47 = arith.constant 64 : i32
    %dma_start3A_48 = tpu.memref_slice %arg6[%dma_start3A_47] : memref<256xi32, #tpu.memory_space<vmem>> -> memref<64xi32, #tpu.memory_space<vmem>>
    %dma_start3A_49 = arith.constant 0 : i32
    %dma_start3A_50 = arith.constant 0 : i32
    %dma_start3A_51 = tpu.memref_slice %arg3[%dma_start3A_49, %dma_start3A_50] : memref<30522x768xf32, #tpu.memory_space<hbm>> -> memref<30522x768xf32, #tpu.memory_space<hbm>>
    tpu.enqueue_indirect_dma source(%dma_start3A_51 : memref<30522x768xf32, #tpu.memory_space<hbm>>) target(%arg9 : memref<64x768xf32, #tpu.memory_space<vmem>>) offsets(%dma_start3A_48 : memref<64xi32, #tpu.memory_space<vmem>>) semaphore(%arg11 : memref<!tpu.dma_semaphore, #tpu.memory_space<semaphore_mem>>)
    %add3A_52 = arith.constant 0 : i32
    %add3A_53 = arith.addi %add3A_35, %add3A_52 : i32
    %dma_start3A_54 = arith.constant 0 : i32
    %dma_start3A_55 = tpu.memref_slice %arg5[%add3A_53, %dma_start3A_54] : memref<8192x768xf32, #tpu.memory_space<hbm>> -> memref<64x768xf32, #tpu.memory_space<hbm>>
    %dma_start3A_56 = arith.constant 0 : i32
    %dma_start3A_57 = tpu.memref_slice %arg5[%add3A_53, %dma_start3A_56] : memref<8192x768xf32, #tpu.memory_space<hbm>> -> memref<64x768xf32, #tpu.memory_space<hbm>>
    tpu.enqueue_dma source(%arg8 : memref<64x768xf32, #tpu.memory_space<vmem>>) target(%dma_start3A_57 : memref<64x768xf32, #tpu.memory_space<hbm>>) target_semaphore(%arg12 : memref<!tpu.dma_semaphore, #tpu.memory_space<semaphore_mem>>)
    %dma_wait3A_58 = arith.constant 0 : i32
    %dma_wait3A_59 = tpu.memref_slice %arg5[%add3A_53, %dma_wait3A_58] : memref<8192x768xf32, #tpu.memory_space<hbm>> -> memref<64x768xf32, #tpu.memory_space<hbm>>
    %dma_wait3A_60 = arith.constant 0 : i32
    %dma_wait3A_61 = tpu.memref_slice %arg5[%add3A_53, %dma_wait3A_60] : memref<8192x768xf32, #tpu.memory_space<hbm>> -> memref<64x768xf32, #tpu.memory_space<hbm>>
    tpu.wait_dma2 semaphore(%arg12 : memref<!tpu.dma_semaphore, #tpu.memory_space<semaphore_mem>>) src(%arg8 : memref<64x768xf32, #tpu.memory_space<vmem>>) dst(%dma_wait3A_61 : memref<64x768xf32, #tpu.memory_space<hbm>>)
    %dma_wait3A_62 = arith.constant 64 : i32
    %dma_wait3A_63 = tpu.memref_slice %arg6[%dma_wait3A_62] : memref<256xi32, #tpu.memory_space<vmem>> -> memref<64xi32, #tpu.memory_space<vmem>>
    %dma_wait3A_64 = arith.constant 0 : i32
    %dma_wait3A_65 = arith.constant 0 : i32
    %dma_wait3A_66 = tpu.memref_slice %arg3[%dma_wait3A_64, %dma_wait3A_65] : memref<30522x768xf32, #tpu.memory_space<hbm>> -> memref<30522x768xf32, #tpu.memory_space<hbm>>
    tpu.wait_indirect_dma semaphore(%arg11 : memref<!tpu.dma_semaphore, #tpu.memory_space<semaphore_mem>>) src(%dma_wait3A_66 : memref<30522x768xf32, #tpu.memory_space<hbm>>) dst(%arg9 : memref<64x768xf32, #tpu.memory_space<vmem>>)
    %dma_start3A_67 = arith.constant 128 : i32
    %dma_start3A_68 = tpu.memref_slice %arg6[%dma_start3A_67] : memref<256xi32, #tpu.memory_space<vmem>> -> memref<64xi32, #tpu.memory_space<vmem>>
    %dma_start3A_69 = arith.constant 0 : i32
    %dma_start3A_70 = arith.constant 0 : i32
    %dma_start3A_71 = tpu.memref_slice %arg3[%dma_start3A_69, %dma_start3A_70] : memref<30522x768xf32, #tpu.memory_space<hbm>> -> memref<30522x768xf32, #tpu.memory_space<hbm>>
    tpu.enqueue_indirect_dma source(%dma_start3A_71 : memref<30522x768xf32, #tpu.memory_space<hbm>>) target(%arg8 : memref<64x768xf32, #tpu.memory_space<vmem>>) offsets(%dma_start3A_68 : memref<64xi32, #tpu.memory_space<vmem>>) semaphore(%arg11 : memref<!tpu.dma_semaphore, #tpu.memory_space<semaphore_mem>>)
    %add3A_72 = arith.constant 64 : i32
    %add3A_73 = arith.addi %add3A_35, %add3A_72 : i32
    %dma_start3A_74 = arith.constant 0 : i32
    %dma_start3A_75 = tpu.memref_slice %arg5[%add3A_73, %dma_start3A_74] : memref<8192x768xf32, #tpu.memory_space<hbm>> -> memref<64x768xf32, #tpu.memory_space<hbm>>
    %dma_start3A_76 = arith.constant 0 : i32
    %dma_start3A_77 = tpu.memref_slice %arg5[%add3A_73, %dma_start3A_76] : memref<8192x768xf32, #tpu.memory_space<hbm>> -> memref<64x768xf32, #tpu.memory_space<hbm>>
    tpu.enqueue_dma source(%arg9 : memref<64x768xf32, #tpu.memory_space<vmem>>) target(%dma_start3A_77 : memref<64x768xf32, #tpu.memory_space<hbm>>) target_semaphore(%arg12 : memref<!tpu.dma_semaphore, #tpu.memory_space<semaphore_mem>>)
    %dma_wait3A_78 = arith.constant 0 : i32
    %dma_wait3A_79 = tpu.memref_slice %arg5[%add3A_73, %dma_wait3A_78] : memref<8192x768xf32, #tpu.memory_space<hbm>> -> memref<64x768xf32, #tpu.memory_space<hbm>>
    %dma_wait3A_80 = arith.constant 0 : i32
    %dma_wait3A_81 = tpu.memref_slice %arg5[%add3A_73, %dma_wait3A_80] : memref<8192x768xf32, #tpu.memory_space<hbm>> -> memref<64x768xf32, #tpu.memory_space<hbm>>
    tpu.wait_dma2 semaphore(%arg12 : memref<!tpu.dma_semaphore, #tpu.memory_space<semaphore_mem>>) src(%arg9 : memref<64x768xf32, #tpu.memory_space<vmem>>) dst(%dma_wait3A_81 : memref<64x768xf32, #tpu.memory_space<hbm>>)
    %dma_wait3A_82 = arith.constant 128 : i32
    %dma_wait3A_83 = tpu.memref_slice %arg6[%dma_wait3A_82] : memref<256xi32, #tpu.memory_space<vmem>> -> memref<64xi32, #tpu.memory_space<vmem>>
    %dma_wait3A_84 = arith.constant 0 : i32
    %dma_wait3A_85 = arith.constant 0 : i32
    %dma_wait3A_86 = tpu.memref_slice %arg3[%dma_wait3A_84, %dma_wait3A_85] : memref<30522x768xf32, #tpu.memory_space<hbm>> -> memref<30522x768xf32, #tpu.memory_space<hbm>>
    tpu.wait_indirect_dma semaphore(%arg11 : memref<!tpu.dma_semaphore, #tpu.memory_space<semaphore_mem>>) src(%dma_wait3A_86 : memref<30522x768xf32, #tpu.memory_space<hbm>>) dst(%arg8 : memref<64x768xf32, #tpu.memory_space<vmem>>)
    %dma_start3A_87 = arith.constant 192 : i32
    %dma_start3A_88 = tpu.memref_slice %arg6[%dma_start3A_87] : memref<256xi32, #tpu.memory_space<vmem>> -> memref<64xi32, #tpu.memory_space<vmem>>
    %dma_start3A_89 = arith.constant 0 : i32
    %dma_start3A_90 = arith.constant 0 : i32
    %dma_start3A_91 = tpu.memref_slice %arg3[%dma_start3A_89, %dma_start3A_90] : memref<30522x768xf32, #tpu.memory_space<hbm>> -> memref<30522x768xf32, #tpu.memory_space<hbm>>
    tpu.enqueue_indirect_dma source(%dma_start3A_91 : memref<30522x768xf32, #tpu.memory_space<hbm>>) target(%arg9 : memref<64x768xf32, #tpu.memory_space<vmem>>) offsets(%dma_start3A_88 : memref<64xi32, #tpu.memory_space<vmem>>) semaphore(%arg11 : memref<!tpu.dma_semaphore, #tpu.memory_space<semaphore_mem>>)
    %add3A_92 = arith.constant 128 : i32
    %add3A_93 = arith.addi %add3A_35, %add3A_92 : i32
    %dma_start3A_94 = arith.constant 0 : i32
    %dma_start3A_95 = tpu.memref_slice %arg5[%add3A_93, %dma_start3A_94] : memref<8192x768xf32, #tpu.memory_space<hbm>> -> memref<64x768xf32, #tpu.memory_space<hbm>>
    %dma_start3A_96 = arith.constant 0 : i32
    %dma_start3A_97 = tpu.memref_slice %arg5[%add3A_93, %dma_start3A_96] : memref<8192x768xf32, #tpu.memory_space<hbm>> -> memref<64x768xf32, #tpu.memory_space<hbm>>
    tpu.enqueue_dma source(%arg8 : memref<64x768xf32, #tpu.memory_space<vmem>>) target(%dma_start3A_97 : memref<64x768xf32, #tpu.memory_space<hbm>>) target_semaphore(%arg12 : memref<!tpu.dma_semaphore, #tpu.memory_space<semaphore_mem>>)
    %dma_wait3A_98 = arith.constant 0 : i32
    %dma_wait3A_99 = tpu.memref_slice %arg5[%add3A_93, %dma_wait3A_98] : memref<8192x768xf32, #tpu.memory_space<hbm>> -> memref<64x768xf32, #tpu.memory_space<hbm>>
    %dma_wait3A_100 = arith.constant 0 : i32
    %dma_wait3A_101 = tpu.memref_slice %arg5[%add3A_93, %dma_wait3A_100] : memref<8192x768xf32, #tpu.memory_space<hbm>> -> memref<64x768xf32, #tpu.memory_space<hbm>>
    tpu.wait_dma2 semaphore(%arg12 : memref<!tpu.dma_semaphore, #tpu.memory_space<semaphore_mem>>) src(%arg8 : memref<64x768xf32, #tpu.memory_space<vmem>>) dst(%dma_wait3A_101 : memref<64x768xf32, #tpu.memory_space<hbm>>)
    %dma_wait3A_102 = arith.constant 192 : i32
    %dma_wait3A_103 = tpu.memref_slice %arg6[%dma_wait3A_102] : memref<256xi32, #tpu.memory_space<vmem>> -> memref<64xi32, #tpu.memory_space<vmem>>
    %dma_wait3A_104 = arith.constant 0 : i32
    %dma_wait3A_105 = arith.constant 0 : i32
    %dma_wait3A_106 = tpu.memref_slice %arg3[%dma_wait3A_104, %dma_wait3A_105] : memref<30522x768xf32, #tpu.memory_space<hbm>> -> memref<30522x768xf32, #tpu.memory_space<hbm>>
    tpu.wait_indirect_dma semaphore(%arg11 : memref<!tpu.dma_semaphore, #tpu.memory_space<semaphore_mem>>) src(%dma_wait3A_106 : memref<30522x768xf32, #tpu.memory_space<hbm>>) dst(%arg9 : memref<64x768xf32, #tpu.memory_space<vmem>>)
    %add3A_107 = arith.constant 192 : i32
    %add3A_108 = arith.addi %add3A_35, %add3A_107 : i32
    %dma_start3A_109 = arith.constant 0 : i32
    %dma_start3A_110 = tpu.memref_slice %arg5[%add3A_108, %dma_start3A_109] : memref<8192x768xf32, #tpu.memory_space<hbm>> -> memref<64x768xf32, #tpu.memory_space<hbm>>
    %dma_start3A_111 = arith.constant 0 : i32
    %dma_start3A_112 = tpu.memref_slice %arg5[%add3A_108, %dma_start3A_111] : memref<8192x768xf32, #tpu.memory_space<hbm>> -> memref<64x768xf32, #tpu.memory_space<hbm>>
    tpu.enqueue_dma source(%arg9 : memref<64x768xf32, #tpu.memory_space<vmem>>) target(%dma_start3A_112 : memref<64x768xf32, #tpu.memory_space<hbm>>) target_semaphore(%arg12 : memref<!tpu.dma_semaphore, #tpu.memory_space<semaphore_mem>>)
    %dma_wait3A_113 = arith.constant 0 : i32
    %dma_wait3A_114 = tpu.memref_slice %arg5[%add3A_108, %dma_wait3A_113] : memref<8192x768xf32, #tpu.memory_space<hbm>> -> memref<64x768xf32, #tpu.memory_space<hbm>>
    %dma_wait3A_115 = arith.constant 0 : i32
    %dma_wait3A_116 = tpu.memref_slice %arg5[%add3A_108, %dma_wait3A_115] : memref<8192x768xf32, #tpu.memory_space<hbm>> -> memref<64x768xf32, #tpu.memory_space<hbm>>
    tpu.wait_dma2 semaphore(%arg12 : memref<!tpu.dma_semaphore, #tpu.memory_space<semaphore_mem>>) src(%arg9 : memref<64x768xf32, #tpu.memory_space<vmem>>) dst(%dma_wait3A_116 : memref<64x768xf32, #tpu.memory_space<hbm>>)
    %barrier3A = arith.constant 0 : index
    tpu.barrier barrier_id(%barrier3A)
    %eq3A_117 = arith.constant 0 : i32
    %eq3A_118 = arith.cmpi eq, %select_n3A_30, %eq3A_117 : i32
    %convert_element_type3A_119 = arith.extui %eq3A_118 : i1 to i32
    %cond3A_120 = arith.constant 0 : i32
    %cond3A_121 = arith.cmpi ne, %convert_element_type3A_119, %cond3A_120 : i32
    scf.if %cond3A_121 {
      "tpu.region"() ({
        %run_scoped3A = tpu.sem_alloc : memref<!tpu.dma_semaphore, #tpu.memory_space<semaphore_mem>>
        tpu.enqueue_dma source(%arg4 : memref<64x768xf32, #tpu.memory_space<hbm>>) target(%arg8 : memref<64x768xf32, #tpu.memory_space<vmem>>) target_semaphore(%run_scoped3A : memref<!tpu.dma_semaphore, #tpu.memory_space<semaphore_mem>>)
        tpu.wait_dma2 semaphore(%run_scoped3A : memref<!tpu.dma_semaphore, #tpu.memory_space<semaphore_mem>>) src(%arg4 : memref<64x768xf32, #tpu.memory_space<hbm>>) dst(%arg8 : memref<64x768xf32, #tpu.memory_space<vmem>>)
        tpu.yield
      }) : () -> ()
      %dma_start3A_122 = arith.constant 0 : i32
      %dma_start3A_123 = arith.constant 0 : i32
      %dma_start3A_124 = tpu.memref_slice %arg5[%dma_start3A_122, %dma_start3A_123] : memref<8192x768xf32, #tpu.memory_space<hbm>> -> memref<8192x768xf32, #tpu.memory_space<hbm>>
      tpu.enqueue_indirect_dma source(%arg8 : memref<64x768xf32, #tpu.memory_space<vmem>>) target(%dma_start3A_124 : memref<8192x768xf32, #tpu.memory_space<hbm>>) offsets(%arg10 : memref<64xi32, #tpu.memory_space<vmem>>) semaphore(%arg11 : memref<!tpu.dma_semaphore, #tpu.memory_space<semaphore_mem>>)
      %dma_wait3A_125 = arith.constant 0 : i32
      %dma_wait3A_126 = arith.constant 0 : i32
      %dma_wait3A_127 = tpu.memref_slice %arg5[%dma_wait3A_125, %dma_wait3A_126] : memref<8192x768xf32, #tpu.memory_space<hbm>> -> memref<8192x768xf32, #tpu.memory_space<hbm>>
      tpu.wait_indirect_dma semaphore(%arg11 : memref<!tpu.dma_semaphore, #tpu.memory_space<semaphore_mem>>) src(%arg8 : memref<64x768xf32, #tpu.memory_space<vmem>>) dst(%dma_wait3A_127 : memref<8192x768xf32, #tpu.memory_space<hbm>>)
    } else {
    }
    return
  }
}

</mosaic_0001>

<sc_bundles>
// kernel: kernel.3.cloned.1.call-start
scs
__scs_entry_jumppad:
0x0: {  	(pc) =	sbr.rel $0x88, $3  }
0x1: {  	(tag) =	ssettag $0x0;
	lr =	simm.s32 $0x1  }
0x2: {  	[smem:$0x3F9E] =	sst lr;
	_ =	strace $0xD0000000  }
0x3: {  	_ = 	snop  }
0x4: {  	_ = 	snop  }
0x5: {  	_ = 	snop  }
0x6: {  	_ = 	snop  }
0x7: {  	_ = 	snop  }
__scs_overlays_trampoline_lowered:
0x8: {  	[smem:$0x3FAD] =	sst s0  }
0x9: {  	[smem:$0x3FAE] =	sst s1  }
0xa: {  	[smem:$0x3FAF] =	sst s2  }
0xb: {  	[smem:$0x3FB0] =	sst s3  }
0xc: {  	[smem:$0x3FB1] =	sst s4  }
0xd: {  	[smem:$0x3FB2] =	sst s5  }
0xe: {  	[smem:$0x3FB3] =	sst s6  }
0xf: {  	[smem:$0x3FB4] =	sst s7  }
0x10: {  	[smem:$0x3FB5] =	sst s8  }
0x11: {  	[smem:$0x3FB6] =	sst s9;
	s0 =	simm.s32 @!p0 $0x0  }
0x12: {  	s1 =	sld [smem:$0x3F9C];
	s0 =	simm.s32 @p0 $0x1  }
0x13: {  	[smem:$0x3FB7] =	sst s0;
	s0 =	simm.s32 @!p1 $0x0  }
0x14: {  	s2 =	sld [smem:$0x3F9B];
	s0 =	simm.s32 @p1 $0x1  }
0x15: {  	[smem:$0x3FB8] =	sst s0;
	s0 =	simm.s32 @!p2 $0x0  }
0x16: {  	s3 =	sld [smem:$0x3FDB];
	s0 =	simm.s32 @p2 $0x1  }
0x17: {  	s4 =	simm.s32 $0x1BF5;
	[smem:$0x3FBA] =	sst s0  }
0x18: {  	s0 =	sld [smem:$0x3F9D];
	_ =	swait.ge [sflag:s4], $0x0  }
0x19: {  	s7 =	sld [smem:$0x3F9E]  }
0x1a: {  	s8 =	sadd.s32 $0xFFFFE003, lr  }
0x1b: {  	s9 =	sadd.s32 $0xFFFFFEF7, lr;
	s5 =	simm.s32 $0xFFFFFFFF;
	p2 =	slt.u32 s8, $0xFFFFF086  }
0x1c: {  	p1 =	slt.u32 s9, $0xF7A;
	s5 =	simm.s32 @!p2 $0x0  }
0x1d: {  	s5 =	simm.s32 @p1 $0x1;
	p0 =	seq.s32 s7, s2  }
0x1e: {  	s7 =	smul.u32 @!p0 $0xF7A, s2;
	p2 =	seq.s32 @!p0 s5, $0x0  }
0x1f: {  	s9 =	smul.u32 $0xF7A, s1;
	s8 =	simm.s32 @!p0 $0x1BF5;
	p2 =	por !p2, p0  }
0x20: {  	[sflag:s8] =	ssyncset.s32 @!p0 $0xFFFFF086;
	s6 =	sadd.s32 @!p0 s3, s7;
	s7 =	simm.s32 @!p0 $0x108  }
0x21: {  	s3 =	sadd.s32 s3, s9;
	s6 =	sadd.s32 @!p0 $0x88, s6;
	s7 =	simm.s32 @p2 $0x1082  }
0x22: {  	[simem:s7], [sflag:s8] =	dma.local @!p0 [hbm:s6], $0xF7A  }
0x23: {  	s9 =	sor.u32 $0xD0000000, s2;
	s6 =	simm.s32 $0x108;
	_ =	swait.ge @!p0 [sflag:s8], $0x0  }
0x24: {  	s3 =	sadd.s32 $0x88, s3;
	s6 =	simm.s32 @!p1 $0x1082;
	[sflag:s4] =	ssyncset.s32 $0xFFFFF086  }
0x25: {  	[simem:s6], [sflag:s4] =	dma.local [hbm:s3], $0xF7A  }
0x26: {  	[smem:$0x3F9E] =	sst s1;
	(tag) =	ssettag s2;
	_ =	strace s9  }
0x27: {  	s1 =	sld [smem:$0x3FAE]  }
0x28: {  	s2 =	sld [smem:$0x3FAF]  }
0x29: {  	s4 =	sld [smem:$0x3FB1]  }
0x2a: {  	p0 =	seq.s32 s5, $0x0;
	s5 =	sld [smem:$0x3FB2]  }
0x2b: {  	s6 =	sld [smem:$0x3FB3]  }
0x2c: {  	s7 =	sld [smem:$0x3FB4]  }
0x2d: {  	s3 =	simm.s32 $0x108;
	s8 =	sld [smem:$0x3FB5]  }
0x2e: {  	s3 =	simm.s32 @!p0 $0x1082;
	s9 =	sld [smem:$0x3FB6]  }
0x2f: {  	lr =	sadd.s32 s0, s3;
	s0 =	sld [smem:$0x3FAD]  }
0x30: {  	s3 =	sld [smem:$0x3FB0]  }
0x31: {  	[smem:$0x3FB9] =	sst s10  }
0x32: {  	s10 =	sld [smem:$0x3FB7];
	_ =	sdelay $0x3  }
0x33: {  	p0 =	seq.s32 s10, $0x1;
	s10 =	sld [smem:$0x3FB9];
	_ =	sdelay $0x3  }
0x34: {  	[smem:$0x3FB9] =	sst s10  }
0x35: {  	s10 =	sld [smem:$0x3FB8];
	_ =	sdelay $0x3  }
0x36: {  	p1 =	seq.s32 s10, $0x1;
	s10 =	sld [smem:$0x3FB9];
	_ =	sdelay $0x3  }
0x37: {  	[smem:$0x3FB9] =	sst s10  }
0x38: {  	s10 =	sld [smem:$0x3FBA]  }
0x39: {  	_ = 	snop;
	(pc) =	sbr.ind lr, $3  }
0x3a: {  	_ = 	snop  }
0x3b: {  	_ = 	snop  }
0x3c: {  	p2 =	seq.s32 s10, $0x1;
	s10 =	sld [smem:$0x3FB9]  }
0x3d: {  	_ =	shalt  }
0x3e: {  	_ =	shalt  }
0x3f: {  	_ =	shalt  }
0x40: {  	_ =	shalt  }
0x41: {  	_ =	shalt  }
0x42: {  	_ =	shalt  }
0x43: {  	_ =	shalt  }
0x44: {  	_ =	shalt  }
0x45: {  	_ =	shalt  }
0x46: {  	_ =	shalt  }
0x47: {  	_ =	shalt  }
0x48: {  	_ =	shalt  }
0x49: {  	_ =	shalt  }
0x4a: {  	_ =	shalt  }
0x4b: {  	_ =	shalt  }
0x4c: {  	_ =	shalt  }
0x4d: {  	_ =	shalt  }
0x4e: {  	_ =	shalt  }
0x4f: {  	_ =	shalt  }
0x50: {  	_ =	shalt  }
0x51: {  	_ =	shalt  }
0x52: {  	_ =	shalt  }
0x53: {  	_ =	shalt  }
0x54: {  	_ =	shalt  }
0x55: {  	_ =	shalt  }
0x56: {  	_ =	shalt  }
0x57: {  	_ =	shalt  }
0x58: {  	_ =	shalt  }
0x59: {  	_ =	shalt  }
0x5a: {  	_ =	shalt  }
0x5b: {  	_ =	shalt  }
0x5c: {  	_ =	shalt  }
0x5d: {  	_ =	shalt  }
0x5e: {  	_ =	shalt  }
0x5f: {  	_ =	shalt  }
0x60: {  	_ =	shalt  }
0x61: {  	_ =	shalt  }
0x62: {  	_ =	shalt  }
0x63: {  	_ =	shalt  }
0x64: {  	_ =	shalt  }
0x65: {  	_ =	shalt  }
0x66: {  	_ =	shalt  }
0x67: {  	_ =	shalt  }
0x68: {  	_ =	shalt  }
0x69: {  	_ =	shalt  }
0x6a: {  	_ =	shalt  }
0x6b: {  	_ =	shalt  }
0x6c: {  	_ =	shalt  }
0x6d: {  	_ =	shalt  }
0x6e: {  	_ =	shalt  }
0x6f: {  	_ =	shalt  }
0x70: {  	_ =	shalt  }
0x71: {  	_ =	shalt  }
0x72: {  	_ =	shalt  }
0x73: {  	_ =	shalt  }
0x74: {  	_ =	shalt  }
0x75: {  	_ =	shalt  }
0x76: {  	_ =	shalt  }
0x77: {  	_ =	shalt  }
0x78: {  	_ =	shalt  }
0x79: {  	_ =	shalt  }
0x7a: {  	_ =	shalt  }
0x7b: {  	_ =	shalt  }
0x7c: {  	_ =	shalt  }
0x7d: {  	_ =	shalt  }
0x7e: {  	_ =	shalt  }
0x7f: {  	_ =	shalt  }
0x80: {  	_ =	shalt  }
0x81: {  	_ =	shalt  }
0x82: {  	_ =	shalt  }
0x83: {  	_ =	shalt  }
0x84: {  	_ =	shalt  }
0x85: {  	_ =	shalt  }
0x86: {  	_ =	shalt  }
0x87: {  	_ =	shalt  }
.Lfunc_end0:
.L_simem_size_0:
called_computation_lowered:
.L_overlay_start_0:
0x88: {  	s2 =	sld [smem:$0x3FD9]  }
0x89: {  	s3 =	sld [smem:$0x3FFE];
	_ =	sdelay $0x1  }
0x8a: {  	s1 =	srdreg.scid  }
0x8b: {  	s0 =	sand.u32 $0x1, s1  }
0x8c: {  	s17 =	sshll.u32 s0, $0xA;
	s2 =	sadd.s32 s3, s2  }
0x8d: {  	s2 =	sadd.s32 s2, s17  }
0x8e: {  	[smem:$0x3FC5] =	sst s2  }
0x8f: {  	_ = 	snop  }
0x90: {  	s2 =	sld [smem:$0x3FC8]  }
0x91: {  	s18 =	sld [smem:$0x3FC7]  }
0x92: {  	s4 =	sld [smem:$0x3FD0];
	(tm) =	ssettm $0x1  }
0x93: {  	s5 =	sld [smem:$0x3FFB];
	_ =	sdelay $0x3  }
0x94: {  	_ =	strace s5  }
0x95: {  	s5 =	sld [smem:$0x3FFC];
	_ =	sdelay $0x3  }
0x96: {  	_ =	strace s5  }
0x97: {  	s5 =	sld [smem:$0x3FFD];
	_ =	sdelay $0x3  }
0x98: {  	_ =	strace s5  }
0x99: {  	_ =	strace $0x8FFFFFFF  }
0x9a: {  	s19 =	sld [smem:$0x3FDB];
	_ =	sdelay $0x1  }
0x9b: {  	s6 =	simm.s32 $_scs_section_size  }
0x9c: {  	s7 =	simm.s32 $_size__tile_overlayer_lowered;
	s8 =	simm.s32 $_tile_overlayer_lowered  }
0x9d: {  	s22 =	simm.s32 $0x1BFF;
	s21 =	sshll.u32 s8, $0x1;
	s5 =	sadd.s32 s6, s19  }
0x9e: {  	s9 =	simm.s32 $0x0;
	s20 =	sshll.u32 s7, $0x1;
	s7 =	sadd.s32 s21, s5  }
0x9f: {  	[timem:s9], [sflag:s22] =	dma.local [hbm:s7], s20  }
0xa0: {  	_ =	swait.ge [sflag:s22], s20  }
0xa1: {  	s6 =	ssub.s32 $0x0, s20;
	[sflag:s22] =	ssyncset.done $0x0  }
0xa2: {  	[sflag:s22] =	ssyncadd.s32 s6;
	_ =	sdelay $0x1  }
0xa3: {  	s23 =	simm.s32 $0x1B8B  }
0xa4: {  	_ =	swait.ge [sflag:s23], $0x1  }
0xa5: {  	[sflag:s23] =	ssyncset.done $0x0  }
0xa6: {  	s25 =	simm.s32 $0x1B8E;
	s24 =	sld [smem:$0x3FFE];
	[sflag:s23] =	ssyncadd.s32 $0xFFFFFFFF  }
0xa7: {  	s26 =	simm.s32 $execute0_lowered;
	[smem:$0x3FD2] =	sst s25  }
0xa8: {  	s7 =	sshll.u32 s26, $0x1;
	_ =	strace $0x80000046;
	[dreg:$0x1] =	wrdreg $0xFFFFFFFF  }
0xa9: {  	s28 =	simm.s32 $_size_execute0_lowered;
	s5 =	sadd.s32 s5, s7;
	[dreg:$0x0] =	wrdreg $0x0  }
0xaa: {  	s7 =	sshll.u32 s28, $0x1;
	[dreg:$0x2] =	wrdreg s5  }
0xab: {  	[dreg:$0x3] =	wrdreg s7  }
0xac: {  	[dreg:$0x4] =	wrdreg $0xC0  }
0xad: {  	_ =	task [dreg:s9], $0x5FFFF  }
0xae: {  	[dreg:$0x1] =	wrdreg $0xFFFFFFFF  }
0xaf: {  	[dreg:$0x0] =	wrdreg $0x60  }
0xb0: {  	[dreg:$0x2] =	wrdreg s24  }
0xb1: {  	[dreg:$0x3] =	wrdreg s2  }
0xb2: {  	[dreg:$0x4] =	wrdreg s18  }
0xb3: {  	[dreg:$0x5] =	wrdreg s4  }
0xb4: {  	[dreg:$0x6] =	wrdreg $0x9  }
0xb5: {  	_ =	task.clear_ibuf [dreg:s9], $0x7FFFF;
	_ =	strace $0x90000046  }
0xb6: {  	s29 =	simm.s32 $0x9;
	_ =	strace $0x80000048  }
0xb7: {  	_ =	swait.ge [sflag:s29], $0x1  }
0xb8: {  	[sflag:s29] =	ssyncadd.s32 $0xFFFFFFFF  }
0xb9: {  	_ =	strace $0x90000048  }
0xba: {  	_ =	sfence  }
0xbb: {  	s30 =	sld [smem:$0x0];
	_ =	sdelay $0x2  }
0xbc: {  	s31 =	sshll.u32 s1, $0xD;
	s1 =	sshrl.u32 s1, $0x2  }
0xbd: {  	s3 =	sand.u32 $0x4000, s31;
	s1 =	sadd.s32 s1, s30  }
0xbe: {  	s0 =	sor.u32 s3, s0;
	s1 =	sshll.u32 s1, $0x11  }
0xbf: {  	s0 =	sor.u32 s1, s0  }
0xc0: {  	s0 =	sadd.s32 $0x8F2B, s0  }
0xc1: {  	[sflag:s0] =	ssyncadd.remote.s32 $0x1  }
0xc2: {  	_ =	sfence.sel $0xFFFF  }
0xc3: {  	[dreg:$0x0] =	wrdreg $0xFFFFFFFF;
	(pc) =	sbr.abs _section_cstart, $3  }
0xc4: {  	[dreg:$0x1] =	wrdreg $0xFFFFFFFF  }
0xc5: {  	_ =	task.clear_ibuf [dreg:s9], $0x2FFFF;
	_ =	strace $0x9FFFFFFF  }
0xc6: {  	(tm) =	ssettm $0x7FFFFFFF  }
0xc7: {  	_ =	shalt  }
tec
execute0_lowered:
.L_overlay_start_1:
0x0: {  	(tag) =	ssettag $0x1  }
0x1: {  	v0 =	vimm.s32 $0xEDCBA987  }
0x2: {  	v1 =	vimm.s32 $0x65432100;
	vm0 =	vcmask $0x300;
	v3 =	vimm.s32 $0xDCBA9876  }
0x3: {  	v5 =	vimm.s32 $0xFFFFFFFF;
	v6 =	vimm.s32 $0xE40000;
	v7 =	vimm.s32 $0x32100000  }
0x4: {  	v8 =	vimm.s32 $0xBA987654;
	v9 =	vimm.s32 $0x7060504;
	v12 =	vimm.s32 $0x1  }
0x5: {  	s0 =	rddreg [dreg:$0x0];
	v13 =	vimm.s32 $0x2;
	v14 =	vimm.s32 $0x3;
	v15 =	vimm.s32 $0x4  }
0x6: {  	s2 =	rddreg [dreg:$0x1];
	v16 =	vimm.s32 $0x5;
	v17 =	vimm.s32 $0x6;
	v18 =	vimm.s32 $0x7  }
0x7: {  	s1 =	srdreg.scid;
	s5 =	stileid.u32;
	v19 =	vimm.s32 $0x8;
	v20 =	vimm.s32 $0x9;
	v21 =	vimm.s32 $0xA  }
0x8: {  	s4 =	rddreg [dreg:$0x3];
	v22 =	vimm.s32 $0xB;
	v23 =	vimm.s32 $0xC;
	v24 =	vimm.s32 $0xD;
	s1 =	sand.u32 $0x1, s1;
	s3 =	sshll.u32 s5, $0x8  }
0x9: {  	v25 =	vimm.s32 $0xE;
	s7 =	sand.u32 $0x7, s5;
	s5 =	simm.s32 $0x0;
	s0 =	sadd.s32 $0x400, s0;
	v0 =	vunpack.c.l.s4.s8 v0;
	v1 =	vunpack.c.l.s4.s8 v1  }
0xa: {  	s29 =	sadd.s32 $0x100, s4;
	s30 =	sadd.s32 $0x200, s4;
	v3 =	vunpack.c.l.s4.s8 v3;
	v6 =	vunpack.c.l.s2.s4 v6;
	v7 =	vunpack.c.l.s4.s8 v7;
	s6 =	sshll.u32 s1, $0xC  }
0xb: {  	v8 =	vunpack.c.l.s4.s8 v8;
	v9 =	vunpack.c.0.s8.s32 v9;
	s3 =	sand.u32 $0x800, s3;
	s21 =	sshll.u32 s7, $0x8;
	[smem:$0x7FF] =	sst s5;
	v0 =	vunpack.c.0.s8.s32 v0  }
0xc: {  	s1 =	ssub.s32 $0x2, s1;
	p0 =	sne.s32 s7, $0x0;
	s6 =	sor.u32 s6, s3;
	v1 =	vunpack.c.0.s8.s32 v1;
	v3 =	vunpack.c.0.s8.s32 v3;
	v6 =	vunpack.c.l.s4.s8 v6  }
0xd: {  	s8 =	sshrl.u32 s1, $0x1;
	_ =	strace $0x80000047;
	[dreg:$0x6] =	wrdreg s29;
	v7 =	vunpack.c.0.s8.s32 v7;
	v8 =	vunpack.c.0.s8.s32 v8;
	v2 =	vand.u32 $0xF, v0  }
0xe: {  	[dreg:$0x7] =	wrdreg s30;
	s3 =	sor.u32 s21, s6;
	s9 =	sshrl.u32 s6, $0x3;
	v0 =	vimm.s32 $0x54321000;
	v3 =	vand.u32 $0xF, v3;
	v6 =	vunpack.c.0.s8.s32 v6  }
0xf: {  	s1 =	ssub.s32 s1, s8;
	s3 =	sshrl.u32 s3, $0x3;
	s22 =	sadd.s32 s0, s9;
	v8 =	vand.u32 $0xF, v8;
	v4 =	vunpack.c.l.s4.s8 v0;
	v0 =	vimm.s32 $0x0  }
0x10: {  	s31 =	smax.u32 s1, $0x1;
	s10 =	smul.u32 $0x1800, s3;
	[dreg:$0x5] =	wrdreg s22;
	v1 =	vcombine.low v1, v2;
	v2 =	vsel vm0, $0x0, v5;
	vm0 =	vcmask $0x700  }
0x11: {  	s0 =	sadd.s32 s0, s3;
	s23 =	smul.u32 $0x300, s3;
	[dreg:$0xe] =	wrdreg s31;
	v7 =	vcombine.low v7, v8;
	v10 =	vand.u32 $0x3, v6;
	v6 =	vlaneseq.u32  }
0x12: {  	s7 =	simm.s32 $0x7900;
	[dreg:$0x9] =	wrdreg s0;
	s24 =	sshrl.u32 s10, $0x3;
	v4 =	vunpack.c.0.s8.s32 v4;
	v30 =	vshrl.u32 v6, $0x3;
	v11 =	vadd.s32 $0x1, v6  }
.Ltmp0:
0x13: {  	s0 =	sadd.s32 s4, s23;
	v26 =	vor.u32 $0x10, v6;
	v27 =	vor.u32 $0x20, v6;
	v28 =	vor.u32 $0x30, v6;
	s3 =	sadd.s32 s4, s24;
	(pc) =	sbr.rel .LBB2_1-.Ltmp0, $4  }
0x14: {  	s9 =	sadd.s32 $0x100, s2;
	[dreg:$0xa] =	wrdreg s0;
	s25 =	sadd.s32 $0x1800, s3;
	v3 =	vcombine.low v4, v3;
	v4 =	vsel vm0, $0x0, v5;
	vm0 =	vcmask $0xF00  }
0x15: {  	s1 =	simm.s32 $0x0;
	v29 =	vand.u32 $0x7, v6;
	s26 =	sadd.s32 $0x3000, s3;
	[dreg:$0xb] =	wrdreg s25;
	v5 =	vsel vm0, $0x0, v5;
	vm0 =	vcmask $0x3F30  }
0x16: {  	s10 =	sadd.s32 $0x200, s2;
	v31 =	vor.u32 $0x8, v6;
	s28 =	sadd.s32 $0x4800, s3;
	[dreg:$0xc] =	wrdreg s26;
	v8 =	vsel vm0, v9, v10;
	v9 =	vmul.u32 $0xFFFFFFFF, v30  }
0x17: {  	s3 =	simm.s32 $0xC900;
	[dreg:$0xd] =	wrdreg s28;
	s25 =	simm.s32 $0x1;
	v10 =	vimm.s32 $0xF;
	v30 =	vmul.u32 $0x8, v30;
	vm0 =	vmmov $0xffff  }
.LBB2_7:
0x18: {  	s1 =	sadd.s32 $0x1, s1;
	s0 =	rddreg [dreg:$0xe]  }
0x19: {  	p1 =	sne.s32 s1, s0  }
.Ltmp1:
0x1a: {  	_ = 	snop;
	(pc) =	sbr.rel @!p1 .LBB2_8-.Ltmp1, $1  }
0x1b: {  	_ =	sdelay $0x3  }
.LBB2_1:
.Ltmp2:
0x1c: {  	(pc) =	sbr.rel @p0 .LBB2_5-.Ltmp2, $2  }
0x1d: {  	_ =	sdelay $0x2  }
0x1e: {  	[dreg:$0x8] =	wrdreg s1  }
0x1f: {  	s26 =	simm.s32 $0x0  }
0x20: {  	s28 =	simm.s32 $0x100;
	s29 =	rddreg [dreg:$0x5];
	s4 =	simm.s32 $0x3  }
0x21: {  	[tilespmem:s28], [sflag:$0x3] =	stream.linear.gather [hbm4b:s29+s26], $0x800, $0x38;
	[tilespmem:$0x18980] =	vst v63  }
0x22: {  	_ =	swait.ge [sflag:s4], $0x800  }
0x23: {  	[sflag:s4] =	ssyncset.done $0x0  }
0x24: {  	[sflag:s4] =	ssyncadd.s32 $0xFFFFF800  }
0x25: {  	v32 =	vld [tilespmem:s28+$0x0];
	_ =	sdelay $0x4  }
0x26: {  	vm1 =	veq.s32 v32, $0x7739  }
0x27: {  	v32 =	vsel vm1, $0x1, v0  }
0x28: {  	v33 =	vperm.xlane v32, v1;
	_ =	sdelay $0x1  }
0x29: {  	v33 =	vand.u32 v2, v33  }
0x2a: {  	v32 =	vadd.s32 v32, v33  }
0x2b: {  	v33 =	vperm.xlane v32, v3;
	_ =	sdelay $0x1  }
0x2c: {  	v33 =	vand.u32 v4, v33  }
0x2d: {  	v32 =	vadd.s32 v33, v32  }
0x2e: {  	v33 =	vperm.xlane v32, v7;
	_ =	sdelay $0x1  }
0x2f: {  	v33 =	vand.u32 v5, v33  }
0x30: {  	v32 =	vadd.s32 v33, v32  }
0x31: {  	v33 =	vperm.xlane v32, v8  }
0x32: {  	s24 =	simm.s32 $0x110  }
0x33: {  	v34 =	vld [tilespmem:s24+$0x0];
	s28 =	simm.s32 $0x120;
	v33 =	vand.u32 v9, v33  }
0x34: {  	v53 =	vld [tilespmem:s28+$0x0];
	v32 =	vadd.s32 v33, v32  }
0x35: {  	v35 =	vperm.xlane v32, v25;
	v36 =	vperm.xlane v32, v23  }
0x36: {  	v37 =	vperm.xlane v32, v24;
	v38 =	vperm.xlane v32, v21  }
0x37: {  	v39 =	vperm.xlane v32, v22;
	v40 =	vperm.xlane v32, v19  }
0x38: {  	vm1 =	veq.s32 v34, $0x7739;
	v41 =	vperm.xlane v32, v20;
	v42 =	vperm.xlane v32, v17  }
0x39: {  	vm3 =	veq.s32 v53, $0x7739;
	v43 =	vperm.xlane v32, v18;
	v44 =	vperm.xlane v32, v15  }
0x3a: {  	v47 =	vsel vm1, $0x1, v0;
	v45 =	vperm.xlane v32, v16;
	v34 =	vperm.xlane v32, v10  }
0x3b: {  	v33 =	vimm.s32 $0x0;
	v46 =	vperm.xlane v32, v0;
	v48 =	vperm.xlane v32, v12  }
0x3c: {  	v49 =	vperm.xlane v32, v14;
	v32 =	vperm.xlane v32, v13;
	v51 =	vsub.s32 v27, v33  }
0x3d: {  	vm6 =	vgt.s32 v51, $0xFFFFFFFF;
	vm1 =	vlt.s32 v46, v11;
	vm2 =	vlt.s32 v34, v11  }
0x3e: {  	vm4 =	vlt.s32 v51, v34;
	v46 =	vsel vm1, $0x1, v0;
	vm1 =	vlt.s32 v48, v11  }
0x3f: {  	v60 =	vsel vm2, $0x1, v0;
	v50 =	vsel vm1, $0x1, v0;
	vm1 =	vlt.s32 v32, v11  }
0x40: {  	v48 =	vsub.s32 v6, v33;
	v61 =	vadd.s32 v60, v46;
	v62 =	vsel vm1, $0x1, v0  }
0x41: {  	vm1 =	vlt.s32 v49, v11;
	v32 =	vadd.s32 v50, v61;
	v50 =	vsub.s32 v26, v33  }
0x42: {  	v63 =	vsel vm1, $0x1, v0;
	vm1 =	vlt.s32 v44, v11;
	v32 =	vadd.s32 v62, v32  }
0x43: {  	v44 =	vsel vm1, $0x1, v0;
	vm1 =	vlt.s32 v45, v11;
	v32 =	vadd.s32 v63, v32  }
0x44: {  	s31 =	sadd.s32 $0x0, s6;
	v45 =	vsel vm1, $0x1, v0;
	vm1 =	vlt.s32 v42, v11;
	v32 =	vadd.s32 v44, v32  }
0x45: {  	v44 =	vor.u32 s31, v6;
	v42 =	vsel vm1, $0x1, v0;
	vm1 =	vlt.s32 v43, v11  }
0x46: {  	v32 =	vadd.s32 v45, v32;
	v45 =	vsub.s32 v28, v33;
	v43 =	vsel vm1, $0x1, v0  }
0x47: {  	vm1 =	vlt.s32 v40, v11;
	v32 =	vadd.s32 v42, v32;
	v42 =	vperm.xlane v47, v1  }
0x48: {  	v40 =	vsel vm1, $0x1, v0;
	vm1 =	vlt.s32 v41, v11;
	v32 =	vadd.s32 v43, v32  }
0x49: {  	v41 =	vsel vm1, $0x1, v0;
	vm1 =	vlt.s32 v38, v11;
	v32 =	vadd.s32 v40, v32  }
0x4a: {  	v38 =	vsel vm1, $0x1, v0;
	vm1 =	vlt.s32 v39, v11;
	v32 =	vadd.s32 v41, v32  }
0x4b: {  	v39 =	vsel vm1, $0x1, v0;
	vm1 =	vlt.s32 v36, v11;
	v32 =	vadd.s32 v38, v32  }
0x4c: {  	v36 =	vsel vm1, $0x1, v0;
	vm1 =	vlt.s32 v37, v11;
	v32 =	vadd.s32 v39, v32  }
0x4d: {  	v37 =	vsel vm1, $0x1, v0;
	vm1 =	vlt.s32 v35, v11;
	v35 =	vand.u32 v2, v42  }
0x4e: {  	v32 =	vadd.s32 v36, v32;
	v43 =	vsel vm1, $0x1, v0;
	v35 =	vadd.s32 v47, v35  }
0x4f: {  	v32 =	vadd.s32 v37, v32;
	vm1 =	vgt.s32 v45, $0x0;
	v47 =	vperm.xlane v35, v3  }
0x50: {  	vm2 =	vlt.s32 v45, v34;
	v32 =	vadd.s32 v43, v32;
	v46 =	vnsel vm1, $0x0, v45  }
0x51: {  	vm1 =	vgt.s32 v45, $0xFFFFFFFF;
	v32 =	vmin.u32 v32, $0xF;
	v49 =	vand.u32 v4, v47  }
0x52: {  	vm1 =	vmand vm1, vm2;
	v36 =	vperm.xlane v44, v32;
	v35 =	vadd.s32 v49, v35  }
0x53: {  	vm2 =	vgt.s32 v50, $0x0;
	v32 =	vmin.u32 v46, $0xF;
	v52 =	vperm.xlane v35, v7  }
0x54: {  	vm5 =	vgt.s32 v50, $0xFFFFFFFF;
	v55 =	vnsel vm2, $0x0, v50;
	v32 =	vperm.xlane v36, v32  }
0x55: {  	vm2 =	vlt.s32 v50, v34;
	v57 =	vmin.u32 v55, $0xF;
	v39 =	vand.u32 v5, v52  }
0x56: {  	v32 =	vsel vm1, v32, v33;
	vm1 =	vgt.s32 v48, $0x0;
	v35 =	vadd.s32 v39, v35  }
0x57: {  	v60 =	vperm.xlane v36, v57;
	v54 =	vnsel vm1, $0x0, v48;
	v59 =	vperm.xlane v35, v8  }
0x58: {  	vm1 =	vgt.s32 v51, $0x0;
	v39 =	vsel vm3, $0x1, v0;
	v42 =	vmin.u32 v54, $0xF  }
0x59: {  	v56 =	vnsel vm1, $0x0, v51;
	v40 =	vperm.xlane v39, v1;
	v61 =	vand.u32 v9, v59  }
0x5a: {  	v58 =	vmin.u32 v56, $0xF;
	v42 =	vperm.xlane v36, v42;
	v62 =	vadd.s32 v61, v35  }
0x5b: {  	vm2 =	vmand vm5, vm2;
	v43 =	vperm.xlane v36, v58;
	v44 =	vperm.xlane v62, v25  }
0x5c: {  	vm3 =	vgt.s32 v48, $0xFFFFFFFF;
	v46 =	vperm.xlane v62, v23;
	v47 =	vperm.xlane v62, v24  }
0x5d: {  	vm1 =	vlt.s32 v48, v34;
	v48 =	vperm.xlane v62, v21;
	v49 =	vperm.xlane v62, v22  }
0x5e: {  	vm1 =	vmand vm3, vm1;
	v50 =	vperm.xlane v62, v19;
	v51 =	vperm.xlane v62, v20  }
0x5f: {  	vm3 =	vmand vm6, vm4;
	v52 =	vperm.xlane v62, v17;
	v53 =	vperm.xlane v62, v18  }
0x60: {  	v36 =	vsel vm2, v60, v33;
	v54 =	vperm.xlane v62, v15;
	v55 =	vperm.xlane v62, v16  }
0x61: {  	v37 =	vsel vm1, v42, v33;
	v38 =	vperm.xlane v62, v10;
	v63 =	vperm.xlane v62, v0  }
0x62: {  	v60 =	vperm.xlane v62, v12;
	v56 =	vperm.xlane v62, v14;
	v35 =	vsel vm3, v43, v33  }
0x63: {  	v41 =	vperm.xlane v62, v13;
	vm1 =	vlt.s32 v63, v11;
	vm2 =	vlt.s32 v38, v11  }
0x64: {  	v42 =	vsel vm1, $0x1, v0;
	vm1 =	vlt.s32 v60, v11;
	v61 =	vsel vm2, $0x1, v0  }
0x65: {  	v45 =	vsel vm1, $0x1, v0;
	vm1 =	vlt.s32 v41, v11;
	v62 =	vadd.s32 v61, v42  }
0x66: {  	v63 =	vsel vm1, $0x1, v0;
	vm1 =	vlt.s32 v56, v11;
	v41 =	vadd.s32 v45, v62  }
0x67: {  	v45 =	vsel vm1, $0x1, v0;
	vm1 =	vlt.s32 v54, v11;
	v41 =	vadd.s32 v63, v41  }
0x68: {  	v54 =	vsel vm1, $0x1, v0;
	vm1 =	vlt.s32 v55, v11;
	v41 =	vadd.s32 v45, v41  }
0x69: {  	v56 =	vsel vm1, $0x1, v0;
	vm1 =	vlt.s32 v52, v11;
	v41 =	vadd.s32 v54, v41  }
0x6a: {  	v57 =	vsel vm1, $0x1, v0;
	vm1 =	vlt.s32 v53, v11;
	v41 =	vadd.s32 v56, v41  }
0x6b: {  	v58 =	vsel vm1, $0x1, v0;
	vm1 =	vlt.s32 v50, v11;
	v41 =	vadd.s32 v57, v41  }
0x6c: {  	v59 =	vsel vm1, $0x1, v0;
	vm1 =	vlt.s32 v51, v11;
	v41 =	vadd.s32 v58, v41  }
0x6d: {  	v60 =	vsel vm1, $0x1, v0;
	vm1 =	vlt.s32 v48, v11;
	v41 =	vadd.s32 v59, v41  }
0x6e: {  	v61 =	vsel vm1, $0x1, v0;
	vm1 =	vlt.s32 v49, v11;
	v41 =	vadd.s32 v60, v41  }
0x6f: {  	v62 =	vsel vm1, $0x1, v0;
	vm1 =	vlt.s32 v46, v11;
	v41 =	vadd.s32 v61, v41  }
0x70: {  	v63 =	vsel vm1, $0x1, v0;
	vm1 =	vlt.s32 v47, v11;
	v43 =	vadd.s32 v62, v41  }
0x71: {  	s30 =	simm.s32 $0x30;
	s29 =	simm.s32 $0x10;
	s26 =	simm.s32 $0x20;
	v41 =	vsel vm1, $0x1, v0;
	vm1 =	vlt.s32 v44, v11;
	v42 =	vadd.s32 v63, v43  }
.LBB2_3:
0x72: {  	p1 =	sne.s32 s30, $0x7F0;
	v43 =	vsel vm1, $0x1, v0;
	v41 =	vadd.s32 v41, v42;
	s31 =	sadd.s32 s6, s29;
	v33 =	vadd.s32 v33, v34;
	v34 =	vmovc v38;
	s29 =	smov.u32 s26  }
0x73: {  	s26 =	smov.u32 s30;
	v38 =	vadd.s32 v43, v41;
	v41 =	vor.u32 s31, v6;
	v42 =	vsub.s32 v28, v33  }
0x74: {  	v40 =	vand.u32 v2, v40;
	v38 =	vmin.u32 v38, $0xF;
	vm1 =	vgt.s32 v42, $0x0  }
0x75: {  	v39 =	vadd.s32 v39, v40;
	v38 =	vperm.xlane v41, v38;
	v40 =	vnsel vm1, $0x0, v42  }
0x76: {  	v43 =	vsub.s32 v6, v33;
	v41 =	vperm.xlane v39, v3;
	v40 =	vmin.u32 v40, $0xF  }
0x77: {  	vm2 =	vlt.s32 v42, v34;
	vm1 =	vgt.s32 v42, $0xFFFFFFFF;
	v40 =	vperm.xlane v38, v40  }
0x78: {  	v42 =	vsub.s32 v26, v33;
	vm1 =	vmand vm1, vm2;
	v41 =	vand.u32 v4, v41  }
0x79: {  	v39 =	vadd.s32 v41, v39;
	v41 =	vsub.s32 v27, v33;
	v32 =	vsel vm1, v40, v32  }
0x7a: {  	s28 =	sadd.s32 $0x10, s28;
	vm2 =	vgt.s32 v42, $0x0;
	v40 =	vperm.xlane v39, v7;
	vm1 =	vgt.s32 v43, $0x0  }
0x7b: {  	v46 =	vnsel vm2, $0x0, v42;
	v45 =	vnsel vm1, $0x0, v43;
	vm1 =	vgt.s32 v41, $0x0;
	v44 =	vld [tilespmem:s28+$0x0]  }
0x7c: {  	v40 =	vand.u32 v5, v40;
	v45 =	vmin.u32 v45, $0xF;
	v47 =	vnsel vm1, $0x0, v41  }
0x7d: {  	v40 =	vadd.s32 v40, v39;
	v39 =	vmin.u32 v46, $0xF;
	v46 =	vmin.u32 v47, $0xF  }
0x7e: {  	vm1 =	vlt.s32 v43, v34;
	v45 =	vperm.xlane v38, v45;
	v47 =	vperm.xlane v40, v8  }
0x7f: {  	vm2 =	vlt.s32 v42, v34;
	v48 =	vperm.xlane v38, v39;
	v46 =	vperm.xlane v38, v46  }
0x80: {  	vm4 =	vlt.s32 v41, v34;
	v38 =	vand.u32 v9, v47;
	vm3 =	veq.s32 v44, $0x7739  }
0x81: {  	v44 =	vadd.s32 v38, v40;
	v39 =	vsel vm3, $0x1, v0;
	vm3 =	vgt.s32 v43, $0xFFFFFFFF  }
0x82: {  	vm5 =	vgt.s32 v42, $0xFFFFFFFF;
	v43 =	vperm.xlane v44, v25;
	v40 =	vperm.xlane v39, v1  }
0x83: {  	vm6 =	vgt.s32 v41, $0xFFFFFFFF;
	v42 =	vperm.xlane v44, v23;
	v47 =	vperm.xlane v44, v24  }
0x84: {  	v41 =	vperm.xlane v44, v21;
	v49 =	vperm.xlane v44, v22;
	vm1 =	vmand vm3, vm1  }
0x85: {  	vm2 =	vmand vm5, vm2;
	v50 =	vperm.xlane v44, v19;
	v51 =	vperm.xlane v44, v20  }
0x86: {  	v52 =	vperm.xlane v44, v17;
	v53 =	vperm.xlane v44, v18;
	vm3 =	vmand vm6, vm4  }
0x87: {  	v54 =	vperm.xlane v44, v15;
	v55 =	vperm.xlane v44, v16;
	v37 =	vsel vm1, v45, v37  }
0x88: {  	v36 =	vsel vm2, v48, v36;
	v38 =	vperm.xlane v44, v10;
	v45 =	vperm.xlane v44, v0  }
0x89: {  	v48 =	vperm.xlane v44, v12;
	v56 =	vperm.xlane v44, v14;
	v35 =	vsel vm3, v46, v35  }
0x8a: {  	v44 =	vperm.xlane v44, v13;
	vm2 =	vlt.s32 v38, v11;
	vm1 =	vlt.s32 v45, v11  }
0x8b: {  	v46 =	vsel vm2, $0x1, v0;
	v45 =	vsel vm1, $0x1, v0;
	vm1 =	vlt.s32 v48, v11  }
0x8c: {  	v48 =	vsel vm1, $0x1, v0;
	vm1 =	vlt.s32 v44, v11;
	v44 =	vadd.s32 v46, v45  }
0x8d: {  	v45 =	vsel vm1, $0x1, v0;
	vm1 =	vlt.s32 v56, v11;
	v44 =	vadd.s32 v48, v44  }
0x8e: {  	v46 =	vsel vm1, $0x1, v0;
	vm1 =	vlt.s32 v54, v11;
	v44 =	vadd.s32 v45, v44  }
0x8f: {  	v45 =	vsel vm1, $0x1, v0;
	vm1 =	vlt.s32 v55, v11;
	v44 =	vadd.s32 v46, v44  }
0x90: {  	v46 =	vsel vm1, $0x1, v0;
	vm1 =	vlt.s32 v52, v11;
	v44 =	vadd.s32 v45, v44  }
0x91: {  	v45 =	vsel vm1, $0x1, v0;
	vm1 =	vlt.s32 v53, v11;
	v44 =	vadd.s32 v46, v44  }
0x92: {  	v46 =	vsel vm1, $0x1, v0;
	vm1 =	vlt.s32 v50, v11;
	v44 =	vadd.s32 v45, v44  }
0x93: {  	v45 =	vsel vm1, $0x1, v0;
	vm1 =	vlt.s32 v51, v11;
	v44 =	vadd.s32 v46, v44  }
.Ltmp3:
0x94: {  	v46 =	vsel vm1, $0x1, v0;
	vm1 =	vlt.s32 v41, v11;
	v41 =	vadd.s32 v45, v44;
	(pc) =	sbr.rel @p1 .LBB2_3-.Ltmp3, $4  }
0x95: {  	v44 =	vsel vm1, $0x1, v0;
	vm1 =	vlt.s32 v49, v11;
	v41 =	vadd.s32 v46, v41  }
0x96: {  	v45 =	vsel vm1, $0x1, v0;
	vm1 =	vlt.s32 v42, v11;
	v41 =	vadd.s32 v44, v41  }
0x97: {  	v42 =	vsel vm1, $0x1, v0;
	vm1 =	vlt.s32 v47, v11;
	v44 =	vadd.s32 v45, v41  }
0x98: {  	s30 =	sadd.s32 $0x10, s30;
	v41 =	vsel vm1, $0x1, v0;
	vm1 =	vlt.s32 v43, v11;
	v42 =	vadd.s32 v42, v44  }
0x99: {  	v43 =	vsel vm1, $0x1, v0  }
0x9a: {  	v41 =	vadd.s32 v41, v42;
	v34 =	vadd.s32 v33, v34;
	s28 =	sadd.s32 s6, s29;
	v40 =	vand.u32 v2, v40  }
0x9b: {  	v62 =	vadd.s32 v43, v41;
	v63 =	vsub.s32 v28, v34;
	v47 =	vor.u32 s28, v6  }
0x9c: {  	v39 =	vadd.s32 v39, v40;
	v44 =	vsub.s32 v6, v34;
	v52 =	vsub.s32 v26, v34  }
0x9d: {  	v53 =	vsub.s32 v27, v34;
	v34 =	vadd.s32 v34, v38;
	vm1 =	vgt.s32 v63, $0x0  }
0x9e: {  	v33 =	vmin.u32 v62, $0xF;
	v49 =	vperm.xlane v39, v3;
	vm2 =	vlt.s32 v63, v38  }
0x9f: {  	vm3 =	vgt.s32 v52, $0x0;
	vm4 =	vlt.s32 v53, v38;
	vm5 =	vgt.s32 v44, $0xFFFFFFFF  }
0xa0: {  	vm6 =	vgt.s32 v52, $0xFFFFFFFF;
	v48 =	vnsel vm1, $0x0, v63;
	v51 =	vand.u32 v4, v49  }
0xa1: {  	v42 =	vperm.xlane v47, v33;
	vm1 =	vgt.s32 v63, $0xFFFFFFFF;
	v39 =	vadd.s32 v51, v39  }
0xa2: {  	v46 =	vnsel vm3, $0x0, v52;
	vm3 =	vlt.s32 v52, v38;
	v40 =	vperm.xlane v39, v7  }
0xa3: {  	v50 =	vmin.u32 v48, $0xF;
	vm1 =	vmand vm1, vm2;
	vm2 =	vgt.s32 v44, $0x0  }
0xa4: {  	v54 =	vmin.u32 v46, $0xF;
	vm3 =	vmand vm6, vm3;
	v40 =	vand.u32 v5, v40  }
0xa5: {  	v45 =	vnsel vm2, $0x0, v44;
	vm2 =	vgt.s32 v53, $0x0;
	v39 =	vadd.s32 v40, v39  }
0xa6: {  	v33 =	vperm.xlane v42, v50;
	v47 =	vnsel vm2, $0x0, v53;
	v56 =	vperm.xlane v39, v8  }
0xa7: {  	v45 =	vmin.u32 v45, $0xF;
	vm2 =	vlt.s32 v44, v38;
	v55 =	vmin.u32 v47, $0xF  }
0xa8: {  	v45 =	vperm.xlane v42, v45;
	vm5 =	vmand vm5, vm2;
	v57 =	vand.u32 v9, v56  }
0xa9: {  	v40 =	vperm.xlane v42, v54;
	v42 =	vperm.xlane v42, v55;
	v39 =	vadd.s32 v57, v39  }
0xaa: {  	s26 =	sadd.s32 s6, s26;
	vm2 =	vgt.s32 v53, $0xFFFFFFFF;
	v44 =	vperm.xlane v39, v25;
	v41 =	vperm.xlane v39, v23  }
0xab: {  	v53 =	vor.u32 s26, v6;
	v46 =	vperm.xlane v39, v24;
	v43 =	vperm.xlane v39, v21  }
0xac: {  	v32 =	vsel vm1, v33, v32;
	v47 =	vperm.xlane v39, v22;
	v48 =	vperm.xlane v39, v10  }
0xad: {  	vm2 =	vmand vm2, vm4;
	v49 =	vperm.xlane v39, v0;
	v58 =	vperm.xlane v39, v12  }
0xae: {  	v37 =	vsel vm5, v45, v37;
	v50 =	vperm.xlane v39, v14;
	v59 =	vperm.xlane v39, v13  }
0xaf: {  	v36 =	vsel vm3, v40, v36;
	v61 =	vperm.xlane v39, v15;
	v63 =	vperm.xlane v39, v19  }
0xb0: {  	v35 =	vsel vm2, v42, v35;
	v54 =	vperm.xlane v39, v16;
	v56 =	vperm.xlane v39, v17  }
0xb1: {  	vm14 =	vlt.s32 v49, v11;
	vm15 =	vlt.s32 v48, v11;
	vm8 =	vlt.s32 v58, v11  }
0xb2: {  	vm9 =	vlt.s32 v59, v11;
	vm10 =	vlt.s32 v50, v11;
	vm11 =	vlt.s32 v61, v11  }
0xb3: {  	v58 =	vperm.xlane v39, v18;
	vm12 =	vlt.s32 v54, v11;
	v39 =	vperm.xlane v39, v20  }
0xb4: {  	vm13 =	vlt.s32 v56, v11;
	v56 =	vsub.s32 v26, v34;
	v51 =	vsel vm14, $0x1, v0  }
0xb5: {  	v60 =	vsel vm15, $0x1, v0;
	v52 =	vsel vm8, $0x1, v0;
	v62 =	vsel vm9, $0x1, v0  }
0xb6: {  	v55 =	vsel vm10, $0x1, v0;
	v57 =	vsel vm11, $0x1, v0;
	v50 =	vsel vm12, $0x1, v0  }
0xb7: {  	v49 =	vsel vm13, $0x1, v0;
	vm15 =	vlt.s32 v63, v11;
	v45 =	vadd.s32 v60, v51  }
0xb8: {  	vm9 =	vlt.s32 v43, v11;
	vm10 =	vlt.s32 v47, v11;
	v45 =	vadd.s32 v52, v45  }
0xb9: {  	vm11 =	vlt.s32 v41, v11;
	vm12 =	vlt.s32 v46, v11;
	v45 =	vadd.s32 v62, v45  }
0xba: {  	vm13 =	vlt.s32 v44, v11;
	vm14 =	vlt.s32 v58, v11;
	v45 =	vadd.s32 v55, v45  }
0xbb: {  	v60 =	vsel vm15, $0x1, v0;
	vm8 =	vlt.s32 v39, v11;
	v45 =	vadd.s32 v57, v45  }
0xbc: {  	v43 =	vsel vm9, $0x1, v0;
	v63 =	vsel vm10, $0x1, v0;
	v45 =	vadd.s32 v50, v45  }
0xbd: {  	v41 =	vsel vm11, $0x1, v0;
	v59 =	vsel vm14, $0x1, v0;
	v45 =	vadd.s32 v49, v45  }
0xbe: {  	vm15 =	vgt.s32 v56, $0x0;
	v52 =	vsub.s32 v28, v34;
	v61 =	vadd.s32 v59, v45  }
0xbf: {  	v58 =	vnsel vm15, $0x0, v56;
	v62 =	vsel vm8, $0x1, v0;
	v39 =	vadd.s32 v60, v61  }
0xc0: {  	vm3 =	vgt.s32 v52, $0x0;
	vm2 =	vgt.s32 v52, $0xFFFFFFFF;
	v39 =	vadd.s32 v62, v39  }
0xc1: {  	v54 =	vnsel vm3, $0x0, v52;
	v55 =	vsub.s32 v6, v34;
	v39 =	vadd.s32 v43, v39  }
0xc2: {  	vm3 =	vlt.s32 v52, v48;
	v34 =	vsub.s32 v27, v34;
	v39 =	vadd.s32 v63, v39  }
0xc3: {  	v40 =	vmin.u32 v54, $0xF;
	v49 =	vsel vm12, $0x1, v0;
	v39 =	vadd.s32 v41, v39  }
0xc4: {  	vm14 =	vgt.s32 v55, $0x0;
	v50 =	vsel vm13, $0x1, v0;
	v39 =	vadd.s32 v49, v39  }
0xc5: {  	vm9 =	vgt.s32 v34, $0x0;
	vm10 =	vlt.s32 v55, v48;
	v51 =	vadd.s32 v50, v39  }
0xc6: {  	vm11 =	vgt.s32 v55, $0xFFFFFFFF;
	vm15 =	vgt.s32 v34, $0xFFFFFFFF;
	v38 =	vmin.u32 v51, $0xF  }
0xc7: {  	vm1 =	vmand vm2, vm3;
	v57 =	vnsel vm14, $0x0, v55;
	v38 =	vperm.xlane v53, v38  }
0xc8: {  	vm4 =	vmand vm11, vm10;
	vm13 =	vgt.s32 v56, $0xFFFFFFFF;
	v42 =	vmin.u32 v57, $0xF  }
0xc9: {  	vm12 =	vlt.s32 v56, v48;
	v43 =	vmin.u32 v58, $0xF;
	v42 =	vperm.xlane v38, v42  }
0xca: {  	v59 =	vnsel vm9, $0x0, v34;
	vm5 =	vmand vm13, vm12;
	v60 =	vperm.xlane v38, v43  }
0xcb: {  	v44 =	vmin.u32 v59, $0xF;
	v62 =	vperm.xlane v38, v40;
	v37 =	vsel vm4, v42, v37  }
0xcc: {  	vm14 =	vlt.s32 v34, v48;
	v61 =	vperm.xlane v38, v44;
	v36 =	vsel vm5, v60, v36;
	[tilespmem:$0x18900] =	vst v37  }
0xcd: {  	vm4 =	vmand vm15, vm14;
	v32 =	vsel vm1, v62, v32;
	[tilespmem:$0x18910] =	vst v36  }
0xce: {  	v63 =	vsel vm4, v61, v35;
	[tilespmem:$0x18930] =	vst v32  }
0xcf: {  	[tilespmem:$0x18920] =	vst v63  }
.LBB2_5:
0xd0: {  	s0 =	rddreg [dreg:$0x9];
	s4 =	simm.s32 $0x3  }
0xd1: {  	[tilespmem:s5], [sflag:$0x3] =	stream.linear.gather [hbm4b:s0+s5], $0x100, $0x38;
	[tilespmem:$0x18980] =	vst v63  }
0xd2: {  	_ =	swait.ge [sflag:s4], $0x100  }
0xd3: {  	[sflag:s4] =	ssyncset.done $0x0  }
0xd4: {  	[sflag:s4] =	ssyncadd.s32 $0xFFFFFF00  }
0xd5: {  	v32 =	vld [tilespmem:$0x0];
	_ =	sdelay $0x4  }
0xd6: {  	v33 =	vshrl.u32 v32, $0x3  }
0xd7: {  	v33 =	vmul.u32 $0x30, v33  }
0xd8: {  	v32 =	vand.u32 $0x7, v32  }
0xd9: {  	v32 =	vor.u32 v32, v33  }
0xda: {  	v33 =	vperm.xlane v32, v29;
	_ =	sdelay $0x1  }
0xdb: {  	v33 =	vadd.s32 v30, v33;
	_ =	sdelay $0x3  }
0xdc: {  	s31 =	simm.s32 $0x900;
	v32 =	vperm.xlane v32, v31  }
0xdd: {  	[tilespmem:s31], [sflag:$0x1] =	stream.indirect_vreg.gather [hbm4b:s2+s5], $0x80, v33, vm0, $0xb8;
	[tilespmem:$0x18980] =	vst v63  }
0xde: {  	s18 =	simm.s32 $0x1100;
	v32 =	vadd.s32 v30, v32  }
0xdf: {  	[tilespmem:s18], [sflag:$0x1] =	stream.indirect_vreg.gather [hbm4b:s9+s5], $0x80, v33, vm0, $0xb8;
	[tilespmem:$0x18980] =	vst v63  }
0xe0: {  	s22 =	simm.s32 $0x1900  }
0xe1: {  	[tilespmem:s22], [sflag:$0x1] =	stream.indirect_vreg.gather [hbm4b:s10+s5], $0x80, v33, vm0, $0xb8;
	[tilespmem:$0x18980] =	vst v63  }
0xe2: {  	s24 =	simm.s32 $0x2100  }
0xe3: {  	[tilespmem:s24], [sflag:$0x1] =	stream.indirect_vreg.gather [hbm4b:s2+s5], $0x80, v32, vm0, $0xb8;
	[tilespmem:$0x18980] =	vst v63  }
0xe4: {  	s31 =	simm.s32 $0x2900  }
0xe5: {  	[tilespmem:s31], [sflag:$0x1] =	stream.indirect_vreg.gather [hbm4b:s9+s5], $0x80, v32, vm0, $0xb8;
	[tilespmem:$0x18980] =	vst v63  }
0xe6: {  	s26 =	simm.s32 $0x3100  }
0xe7: {  	[tilespmem:s26], [sflag:$0x1] =	stream.indirect_vreg.gather [hbm4b:s10+s5], $0x80, v32, vm0, $0xb8;
	[tilespmem:$0x18980] =	vst v63  }
0xe8: {  	v32 =	vld [tilespmem:$0x10];
	_ =	sdelay $0x4  }
0xe9: {  	v46 =	vshrl.u32 v32, $0x3  }
0xea: {  	v33 =	vmul.u32 $0x30, v46  }
0xeb: {  	v32 =	vand.u32 $0x7, v32  }
0xec: {  	v32 =	vor.u32 v32, v33  }
0xed: {  	v33 =	vperm.xlane v32, v29;
	_ =	sdelay $0x1  }
0xee: {  	v33 =	vadd.s32 v30, v33;
	_ =	sdelay $0x3  }
0xef: {  	s14 =	simm.s32 $0x3900;
	v32 =	vperm.xlane v32, v31  }
0xf0: {  	[tilespmem:s14], [sflag:$0x1] =	stream.indirect_vreg.gather [hbm4b:s2+s5], $0x80, v33, vm0, $0xb8;
	[tilespmem:$0x18980] =	vst v63  }
0xf1: {  	s17 =	simm.s32 $0x4100;
	v32 =	vadd.s32 v30, v32  }
0xf2: {  	[tilespmem:s17], [sflag:$0x1] =	stream.indirect_vreg.gather [hbm4b:s9+s5], $0x80, v33, vm0, $0xb8;
	[tilespmem:$0x18980] =	vst v63  }
0xf3: {  	s20 =	simm.s32 $0x4900  }
0xf4: {  	[tilespmem:s20], [sflag:$0x1] =	stream.indirect_vreg.gather [hbm4b:s10+s5], $0x80, v33, vm0, $0xb8;
	[tilespmem:$0x18980] =	vst v63  }
0xf5: {  	s21 =	simm.s32 $0x5100  }
0xf6: {  	[tilespmem:s21], [sflag:$0x1] =	stream.indirect_vreg.gather [hbm4b:s2+s5], $0x80, v32, vm0, $0xb8;
	[tilespmem:$0x18980] =	vst v63  }
0xf7: {  	s4 =	simm.s32 $0x5900  }
0xf8: {  	[tilespmem:s4], [sflag:$0x1] =	stream.indirect_vreg.gather [hbm4b:s9+s5], $0x80, v32, vm0, $0xb8;
	[tilespmem:$0x18980] =	vst v63  }
0xf9: {  	s19 =	simm.s32 $0x6100  }
0xfa: {  	[tilespmem:s19], [sflag:$0x1] =	stream.indirect_vreg.gather [hbm4b:s10+s5], $0x80, v32, vm0, $0xb8;
	[tilespmem:$0x18980] =	vst v63  }
0xfb: {  	v32 =	vld [tilespmem:$0x20];
	_ =	sdelay $0x4  }
0xfc: {  	v47 =	vshrl.u32 v32, $0x3  }
0xfd: {  	v33 =	vmul.u32 $0x30, v47  }
0xfe: {  	v32 =	vand.u32 $0x7, v32  }
0xff: {  	v32 =	vor.u32 v32, v33  }
0x100: {  	v33 =	vperm.xlane v32, v29;
	_ =	sdelay $0x1  }
0x101: {  	v33 =	vadd.s32 v30, v33;
	_ =	sdelay $0x3  }
0x102: {  	s15 =	simm.s32 $0x6900;
	v32 =	vperm.xlane v32, v31  }
0x103: {  	[tilespmem:s15], [sflag:$0x1] =	stream.indirect_vreg.gather [hbm4b:s2+s5], $0x80, v33, vm0, $0xb8;
	[tilespmem:$0x18980] =	vst v63  }
0x104: {  	s28 =	simm.s32 $0x7100;
	v32 =	vadd.s32 v30, v32  }
0x105: {  	[tilespmem:s28], [sflag:$0x1] =	stream.indirect_vreg.gather [hbm4b:s9+s5], $0x80, v33, vm0, $0xb8;
	[tilespmem:$0x18980] =	vst v63  }
0x106: {  	_ = 	snop  }
0x107: {  	[tilespmem:s7], [sflag:$0x1] =	stream.indirect_vreg.gather [hbm4b:s10+s5], $0x80, v33, vm0, $0xb8;
	[tilespmem:$0x18980] =	vst v63  }
0x108: {  	s29 =	simm.s32 $0x8100  }
0x109: {  	[tilespmem:s29], [sflag:$0x1] =	stream.indirect_vreg.gather [hbm4b:s2+s5], $0x80, v32, vm0, $0xb8;
	[tilespmem:$0x18980] =	vst v63  }
0x10a: {  	s30 =	simm.s32 $0x8900  }
0x10b: {  	[tilespmem:s30], [sflag:$0x1] =	stream.indirect_vreg.gather [hbm4b:s9+s5], $0x80, v32, vm0, $0xb8;
	[tilespmem:$0x18980] =	vst v63  }
0x10c: {  	s12 =	simm.s32 $0x9100  }
0x10d: {  	[tilespmem:s12], [sflag:$0x1] =	stream.indirect_vreg.gather [hbm4b:s10+s5], $0x80, v32, vm0, $0xb8;
	[tilespmem:$0x18980] =	vst v63  }
0x10e: {  	v32 =	vld [tilespmem:$0x30];
	_ =	sdelay $0x4  }
0x10f: {  	v48 =	vshrl.u32 v32, $0x3  }
0x110: {  	v33 =	vmul.u32 $0x30, v48  }
0x111: {  	v32 =	vand.u32 $0x7, v32  }
0x112: {  	v32 =	vor.u32 v32, v33  }
0x113: {  	v33 =	vperm.xlane v32, v29;
	_ =	sdelay $0x1  }
0x114: {  	v33 =	vadd.s32 v30, v33;
	_ =	sdelay $0x3  }
0x115: {  	s8 =	simm.s32 $0x9900;
	v32 =	vperm.xlane v32, v31  }
0x116: {  	[tilespmem:s8], [sflag:$0x1] =	stream.indirect_vreg.gather [hbm4b:s2+s5], $0x80, v33, vm0, $0xb8;
	[tilespmem:$0x18980] =	vst v63  }
0x117: {  	s11 =	simm.s32 $0xA100;
	v32 =	vadd.s32 v30, v32  }
0x118: {  	[tilespmem:s11], [sflag:$0x1] =	stream.indirect_vreg.gather [hbm4b:s9+s5], $0x80, v33, vm0, $0xb8;
	[tilespmem:$0x18980] =	vst v63  }
0x119: {  	s13 =	simm.s32 $0xA900  }
0x11a: {  	[tilespmem:s13], [sflag:$0x1] =	stream.indirect_vreg.gather [hbm4b:s10+s5], $0x80, v33, vm0, $0xb8;
	[tilespmem:$0x18980] =	vst v63  }
0x11b: {  	s16 =	simm.s32 $0xB100  }
0x11c: {  	[tilespmem:s16], [sflag:$0x1] =	stream.indirect_vreg.gather [hbm4b:s2+s5], $0x80, v32, vm0, $0xb8;
	[tilespmem:$0x18980] =	vst v63  }
0x11d: {  	s23 =	simm.s32 $0xB900  }
0x11e: {  	[tilespmem:s23], [sflag:$0x1] =	stream.indirect_vreg.gather [hbm4b:s9+s5], $0x80, v32, vm0, $0xb8;
	[tilespmem:$0x18980] =	vst v63  }
0x11f: {  	s1 =	simm.s32 $0xC100  }
0x120: {  	[tilespmem:s1], [sflag:$0x1] =	stream.indirect_vreg.gather [hbm4b:s10+s5], $0x80, v32, vm0, $0xb8;
	[tilespmem:$0x18980] =	vst v63  }
0x121: {  	_ =	swait.ge [sflag:s25], $0xC000  }
0x122: {  	[sflag:s25] =	ssyncset.done $0x0  }
0x123: {  	[sflag:s25] =	ssyncadd.s32 $0xFFFF4000  }
0x124: {  	v49 =	vld [tilespmem:$0x40];
	_ =	sdelay $0x4  }
0x125: {  	v50 =	vshrl.u32 v49, $0x3  }
0x126: {  	v33 =	vmul.u32 $0x30, v50  }
0x127: {  	v32 =	vand.u32 $0x7, v49  }
0x128: {  	v32 =	vor.u32 v32, v33  }
0x129: {  	v33 =	vperm.xlane v32, v29;
	_ =	sdelay $0x1  }
0x12a: {  	v33 =	vadd.s32 v30, v33;
	_ =	sdelay $0x3  }
0x12b: {  	v32 =	vperm.xlane v32, v31  }
0x12c: {  	[tilespmem:s3], [sflag:$0x1] =	stream.indirect_vreg.gather [hbm4b:s2+s5], $0x80, v33, vm0, $0xb8;
	[tilespmem:$0x18980] =	vst v63  }
0x12d: {  	s1 =	simm.s32 $0xD100;
	v32 =	vadd.s32 v30, v32  }
0x12e: {  	[tilespmem:s1], [sflag:$0x1] =	stream.indirect_vreg.gather [hbm4b:s9+s5], $0x80, v33, vm0, $0xb8;
	[tilespmem:$0x18980] =	vst v63  }
0x12f: {  	s1 =	simm.s32 $0xD900  }
0x130: {  	[tilespmem:s1], [sflag:$0x1] =	stream.indirect_vreg.gather [hbm4b:s10+s5], $0x80, v33, vm0, $0xb8;
	[tilespmem:$0x18980] =	vst v63  }
0x131: {  	s1 =	simm.s32 $0xE100  }
0x132: {  	[tilespmem:s1], [sflag:$0x1] =	stream.indirect_vreg.gather [hbm4b:s2+s5], $0x80, v32, vm0, $0xb8;
	[tilespmem:$0x18980] =	vst v63  }
0x133: {  	s1 =	simm.s32 $0xE900  }
0x134: {  	[tilespmem:s1], [sflag:$0x1] =	stream.indirect_vreg.gather [hbm4b:s9+s5], $0x80, v32, vm0, $0xb8;
	[tilespmem:$0x18980] =	vst v63  }
0x135: {  	s1 =	simm.s32 $0xF100  }
0x136: {  	[tilespmem:s1], [sflag:$0x1] =	stream.indirect_vreg.gather [hbm4b:s10+s5], $0x80, v32, vm0, $0xb8;
	[tilespmem:$0x18980] =	vst v63  }
0x137: {  	v32 =	vld [tilespmem:$0x50];
	_ =	sdelay $0x4  }
0x138: {  	v51 =	vshrl.u32 v32, $0x3  }
0x139: {  	v33 =	vmul.u32 $0x30, v51  }
0x13a: {  	v32 =	vand.u32 $0x7, v32  }
0x13b: {  	v32 =	vor.u32 v32, v33  }
0x13c: {  	v33 =	vperm.xlane v32, v29;
	_ =	sdelay $0x1  }
0x13d: {  	v33 =	vadd.s32 v30, v33;
	_ =	sdelay $0x3  }
0x13e: {  	s1 =	simm.s32 $0xF900;
	v32 =	vperm.xlane v32, v31  }
0x13f: {  	[tilespmem:s1], [sflag:$0x1] =	stream.indirect_vreg.gather [hbm4b:s2+s5], $0x80, v33, vm0, $0xb8;
	[tilespmem:$0x18980] =	vst v63  }
0x140: {  	v32 =	vadd.s32 v30, v32;
	s1 =	simm.s32 $0x10100  }
0x141: {  	[tilespmem:s1], [sflag:$0x1] =	stream.indirect_vreg.gather [hbm4b:s9+s5], $0x80, v33, vm0, $0xb8;
	[tilespmem:$0x18980] =	vst v63  }
0x142: {  	s1 =	simm.s32 $0x10900  }
0x143: {  	[tilespmem:s1], [sflag:$0x1] =	stream.indirect_vreg.gather [hbm4b:s10+s5], $0x80, v33, vm0, $0xb8;
	[tilespmem:$0x18980] =	vst v63  }
0x144: {  	s1 =	simm.s32 $0x11100  }
0x145: {  	[tilespmem:s1], [sflag:$0x1] =	stream.indirect_vreg.gather [hbm4b:s2+s5], $0x80, v32, vm0, $0xb8;
	[tilespmem:$0x18980] =	vst v63  }
0x146: {  	s1 =	simm.s32 $0x11900  }
0x147: {  	[tilespmem:s1], [sflag:$0x1] =	stream.indirect_vreg.gather [hbm4b:s9+s5], $0x80, v32, vm0, $0xb8;
	[tilespmem:$0x18980] =	vst v63  }
0x148: {  	s1 =	simm.s32 $0x12100  }
0x149: {  	[tilespmem:s1], [sflag:$0x1] =	stream.indirect_vreg.gather [hbm4b:s10+s5], $0x80, v32, vm0, $0xb8;
	[tilespmem:$0x18980] =	vst v63  }
0x14a: {  	v32 =	vld [tilespmem:$0x60];
	_ =	sdelay $0x4  }
0x14b: {  	v52 =	vshrl.u32 v32, $0x3  }
0x14c: {  	v33 =	vmul.u32 $0x30, v52  }
0x14d: {  	v32 =	vand.u32 $0x7, v32  }
0x14e: {  	v32 =	vor.u32 v32, v33  }
0x14f: {  	v33 =	vperm.xlane v32, v29;
	_ =	sdelay $0x1  }
0x150: {  	v33 =	vadd.s32 v30, v33;
	_ =	sdelay $0x3  }
0x151: {  	s1 =	simm.s32 $0x12900;
	v32 =	vperm.xlane v32, v31  }
0x152: {  	[tilespmem:s1], [sflag:$0x1] =	stream.indirect_vreg.gather [hbm4b:s2+s5], $0x80, v33, vm0, $0xb8;
	[tilespmem:$0x18980] =	vst v63  }
0x153: {  	v32 =	vadd.s32 v30, v32;
	s1 =	simm.s32 $0x13100  }
0x154: {  	[tilespmem:s1], [sflag:$0x1] =	stream.indirect_vreg.gather [hbm4b:s9+s5], $0x80, v33, vm0, $0xb8;
	[tilespmem:$0x18980] =	vst v63  }
0x155: {  	s1 =	simm.s32 $0x13900  }
0x156: {  	[tilespmem:s1], [sflag:$0x1] =	stream.indirect_vreg.gather [hbm4b:s10+s5], $0x80, v33, vm0, $0xb8;
	[tilespmem:$0x18980] =	vst v63  }
0x157: {  	s1 =	simm.s32 $0x14100  }
0x158: {  	[tilespmem:s1], [sflag:$0x1] =	stream.indirect_vreg.gather [hbm4b:s2+s5], $0x80, v32, vm0, $0xb8;
	[tilespmem:$0x18980] =	vst v63  }
0x159: {  	s1 =	simm.s32 $0x14900  }
0x15a: {  	[tilespmem:s1], [sflag:$0x1] =	stream.indirect_vreg.gather [hbm4b:s9+s5], $0x80, v32, vm0, $0xb8;
	[tilespmem:$0x18980] =	vst v63  }
0x15b: {  	s1 =	simm.s32 $0x15100  }
0x15c: {  	[tilespmem:s1], [sflag:$0x1] =	stream.indirect_vreg.gather [hbm4b:s10+s5], $0x80, v32, vm0, $0xb8;
	[tilespmem:$0x18980] =	vst v63  }
0x15d: {  	v32 =	vld [tilespmem:$0x70];
	_ =	sdelay $0x4  }
0x15e: {  	v53 =	vshrl.u32 v32, $0x3  }
0x15f: {  	v33 =	vmul.u32 $0x30, v53  }
0x160: {  	v32 =	vand.u32 $0x7, v32  }
0x161: {  	v32 =	vor.u32 v32, v33  }
0x162: {  	v33 =	vperm.xlane v32, v29;
	_ =	sdelay $0x1  }
0x163: {  	v33 =	vadd.s32 v30, v33;
	_ =	sdelay $0x3  }
0x164: {  	s1 =	simm.s32 $0x15900;
	v32 =	vperm.xlane v32, v31  }
0x165: {  	[tilespmem:s1], [sflag:$0x1] =	stream.indirect_vreg.gather [hbm4b:s2+s5], $0x80, v33, vm0, $0xb8;
	[tilespmem:$0x18980] =	vst v63  }
0x166: {  	v32 =	vadd.s32 v30, v32;
	s1 =	simm.s32 $0x16100  }
0x167: {  	[tilespmem:s1], [sflag:$0x1] =	stream.indirect_vreg.gather [hbm4b:s9+s5], $0x80, v33, vm0, $0xb8;
	[tilespmem:$0x18980] =	vst v63  }
0x168: {  	s1 =	simm.s32 $0x16900  }
0x169: {  	[tilespmem:s1], [sflag:$0x1] =	stream.indirect_vreg.gather [hbm4b:s10+s5], $0x80, v33, vm0, $0xb8;
	[tilespmem:$0x18980] =	vst v63  }
0x16a: {  	s1 =	simm.s32 $0x17100  }
0x16b: {  	[tilespmem:s1], [sflag:$0x1] =	stream.indirect_vreg.gather [hbm4b:s2+s5], $0x80, v32, vm0, $0xb8;
	[tilespmem:$0x18980] =	vst v63  }
0x16c: {  	s1 =	simm.s32 $0x17900  }
0x16d: {  	[tilespmem:s1], [sflag:$0x1] =	stream.indirect_vreg.gather [hbm4b:s9+s5], $0x80, v32, vm0, $0xb8;
	[tilespmem:$0x18980] =	vst v63  }
0x16e: {  	s1 =	simm.s32 $0x18100  }
0x16f: {  	[tilespmem:s1], [sflag:$0x1] =	stream.indirect_vreg.gather [hbm4b:s10+s5], $0x80, v32, vm0, $0xb8;
	[tilespmem:$0x18980] =	vst v63  }
0x170: {  	s0 =	rddreg [dreg:$0xa];
	s1 =	simm.s32 $0x900  }
0x171: {  	[hbm4b:s0+s5] =	stream.linear.scatter [tilespmem:s1], [sflag:$0x2], $0xC000, $0x38;
	[tilespmem:$0x18980] =	vst v63  }
0x172: {  	s0 =	simm.s32 $0x2  }
0x173: {  	_ =	swait.ge [sflag:s0], $0xC000  }
0x174: {  	[sflag:s0] =	ssyncset.done $0x0  }
0x175: {  	[sflag:s0] =	ssyncadd.s32 $0xFFFF4000  }
0x176: {  	_ =	swait.ge [sflag:s25], $0xC000  }
0x177: {  	[sflag:s25] =	ssyncset.done $0x0  }
0x178: {  	[sflag:s25] =	ssyncadd.s32 $0xFFFF4000  }
0x179: {  	v54 =	vld [tilespmem:$0x80];
	_ =	sdelay $0x4  }
0x17a: {  	v55 =	vshrl.u32 v54, $0x3  }
0x17b: {  	v33 =	vmul.u32 $0x30, v55  }
0x17c: {  	v32 =	vand.u32 $0x7, v54  }
0x17d: {  	v32 =	vor.u32 v32, v33  }
0x17e: {  	v33 =	vperm.xlane v32, v29;
	_ =	sdelay $0x1  }
0x17f: {  	v33 =	vadd.s32 v30, v33;
	_ =	sdelay $0x3  }
0x180: {  	v32 =	vperm.xlane v32, v31  }
0x181: {  	[tilespmem:s1], [sflag:$0x1] =	stream.indirect_vreg.gather [hbm4b:s2+s5], $0x80, v33, vm0, $0xb8;
	[tilespmem:$0x18980] =	vst v63  }
0x182: {  	v32 =	vadd.s32 v30, v32  }
0x183: {  	[tilespmem:s18], [sflag:$0x1] =	stream.indirect_vreg.gather [hbm4b:s9+s5], $0x80, v33, vm0, $0xb8;
	[tilespmem:$0x18980] =	vst v63  }
0x184: {  	_ = 	snop  }
0x185: {  	[tilespmem:s22], [sflag:$0x1] =	stream.indirect_vreg.gather [hbm4b:s10+s5], $0x80, v33, vm0, $0xb8;
	[tilespmem:$0x18980] =	vst v63  }
0x186: {  	_ = 	snop  }
0x187: {  	[tilespmem:s24], [sflag:$0x1] =	stream.indirect_vreg.gather [hbm4b:s2+s5], $0x80, v32, vm0, $0xb8;
	[tilespmem:$0x18980] =	vst v63  }
0x188: {  	_ = 	snop  }
0x189: {  	[tilespmem:s31], [sflag:$0x1] =	stream.indirect_vreg.gather [hbm4b:s9+s5], $0x80, v32, vm0, $0xb8;
	[tilespmem:$0x18980] =	vst v63  }
0x18a: {  	_ = 	snop  }
0x18b: {  	[tilespmem:s26], [sflag:$0x1] =	stream.indirect_vreg.gather [hbm4b:s10+s5], $0x80, v32, vm0, $0xb8;
	[tilespmem:$0x18980] =	vst v63  }
0x18c: {  	v32 =	vld [tilespmem:$0x90];
	_ =	sdelay $0x4  }
0x18d: {  	v56 =	vshrl.u32 v32, $0x3  }
0x18e: {  	v33 =	vmul.u32 $0x30, v56  }
0x18f: {  	v32 =	vand.u32 $0x7, v32  }
0x190: {  	v32 =	vor.u32 v32, v33  }
0x191: {  	v33 =	vperm.xlane v32, v29;
	_ =	sdelay $0x1  }
0x192: {  	v33 =	vadd.s32 v30, v33;
	_ =	sdelay $0x3  }
0x193: {  	v32 =	vperm.xlane v32, v31  }
0x194: {  	[tilespmem:s14], [sflag:$0x1] =	stream.indirect_vreg.gather [hbm4b:s2+s5], $0x80, v33, vm0, $0xb8;
	[tilespmem:$0x18980] =	vst v63  }
0x195: {  	v32 =	vadd.s32 v30, v32  }
0x196: {  	[tilespmem:s17], [sflag:$0x1] =	stream.indirect_vreg.gather [hbm4b:s9+s5], $0x80, v33, vm0, $0xb8;
	[tilespmem:$0x18980] =	vst v63  }
0x197: {  	_ = 	snop  }
0x198: {  	[tilespmem:s20], [sflag:$0x1] =	stream.indirect_vreg.gather [hbm4b:s10+s5], $0x80, v33, vm0, $0xb8;
	[tilespmem:$0x18980] =	vst v63  }
0x199: {  	_ = 	snop  }
0x19a: {  	[tilespmem:s21], [sflag:$0x1] =	stream.indirect_vreg.gather [hbm4b:s2+s5], $0x80, v32, vm0, $0xb8;
	[tilespmem:$0x18980] =	vst v63  }
0x19b: {  	_ = 	snop  }
0x19c: {  	[tilespmem:s4], [sflag:$0x1] =	stream.indirect_vreg.gather [hbm4b:s9+s5], $0x80, v32, vm0, $0xb8;
	[tilespmem:$0x18980] =	vst v63  }
0x19d: {  	_ = 	snop  }
0x19e: {  	[tilespmem:s19], [sflag:$0x1] =	stream.indirect_vreg.gather [hbm4b:s10+s5], $0x80, v32, vm0, $0xb8;
	[tilespmem:$0x18980] =	vst v63  }
0x19f: {  	v32 =	vld [tilespmem:$0xA0];
	_ =	sdelay $0x4  }
0x1a0: {  	v57 =	vshrl.u32 v32, $0x3  }
0x1a1: {  	v33 =	vmul.u32 $0x30, v57  }
0x1a2: {  	v32 =	vand.u32 $0x7, v32  }
0x1a3: {  	v32 =	vor.u32 v32, v33  }
0x1a4: {  	v33 =	vperm.xlane v32, v29;
	_ =	sdelay $0x1  }
0x1a5: {  	v33 =	vadd.s32 v30, v33;
	_ =	sdelay $0x3  }
0x1a6: {  	v32 =	vperm.xlane v32, v31  }
0x1a7: {  	[tilespmem:s15], [sflag:$0x1] =	stream.indirect_vreg.gather [hbm4b:s2+s5], $0x80, v33, vm0, $0xb8;
	[tilespmem:$0x18980] =	vst v63  }
0x1a8: {  	v32 =	vadd.s32 v30, v32  }
0x1a9: {  	[tilespmem:s28], [sflag:$0x1] =	stream.indirect_vreg.gather [hbm4b:s9+s5], $0x80, v33, vm0, $0xb8;
	[tilespmem:$0x18980] =	vst v63  }
0x1aa: {  	_ = 	snop  }
0x1ab: {  	[tilespmem:s7], [sflag:$0x1] =	stream.indirect_vreg.gather [hbm4b:s10+s5], $0x80, v33, vm0, $0xb8;
	[tilespmem:$0x18980] =	vst v63  }
0x1ac: {  	_ = 	snop  }
0x1ad: {  	[tilespmem:s29], [sflag:$0x1] =	stream.indirect_vreg.gather [hbm4b:s2+s5], $0x80, v32, vm0, $0xb8;
	[tilespmem:$0x18980] =	vst v63  }
0x1ae: {  	_ = 	snop  }
0x1af: {  	[tilespmem:s30], [sflag:$0x1] =	stream.indirect_vreg.gather [hbm4b:s9+s5], $0x80, v32, vm0, $0xb8;
	[tilespmem:$0x18980] =	vst v63  }
0x1b0: {  	_ = 	snop  }
0x1b1: {  	[tilespmem:s12], [sflag:$0x1] =	stream.indirect_vreg.gather [hbm4b:s10+s5], $0x80, v32, vm0, $0xb8;
	[tilespmem:$0x18980] =	vst v63  }
0x1b2: {  	v32 =	vld [tilespmem:$0xB0];
	_ =	sdelay $0x4  }
0x1b3: {  	v58 =	vshrl.u32 v32, $0x3  }
0x1b4: {  	v33 =	vmul.u32 $0x30, v58  }
0x1b5: {  	v32 =	vand.u32 $0x7, v32  }
0x1b6: {  	v32 =	vor.u32 v32, v33  }
0x1b7: {  	v33 =	vperm.xlane v32, v29;
	_ =	sdelay $0x1  }
0x1b8: {  	v33 =	vadd.s32 v30, v33;
	_ =	sdelay $0x3  }
0x1b9: {  	v32 =	vperm.xlane v32, v31  }
0x1ba: {  	[tilespmem:s8], [sflag:$0x1] =	stream.indirect_vreg.gather [hbm4b:s2+s5], $0x80, v33, vm0, $0xb8;
	[tilespmem:$0x18980] =	vst v63  }
0x1bb: {  	v32 =	vadd.s32 v30, v32  }
0x1bc: {  	[tilespmem:s11], [sflag:$0x1] =	stream.indirect_vreg.gather [hbm4b:s9+s5], $0x80, v33, vm0, $0xb8;
	[tilespmem:$0x18980] =	vst v63  }
0x1bd: {  	_ = 	snop  }
0x1be: {  	[tilespmem:s13], [sflag:$0x1] =	stream.indirect_vreg.gather [hbm4b:s10+s5], $0x80, v33, vm0, $0xb8;
	[tilespmem:$0x18980] =	vst v63  }
0x1bf: {  	_ = 	snop  }
0x1c0: {  	[tilespmem:s16], [sflag:$0x1] =	stream.indirect_vreg.gather [hbm4b:s2+s5], $0x80, v32, vm0, $0xb8;
	[tilespmem:$0x18980] =	vst v63  }
0x1c1: {  	_ = 	snop  }
0x1c2: {  	[tilespmem:s23], [sflag:$0x1] =	stream.indirect_vreg.gather [hbm4b:s9+s5], $0x80, v32, vm0, $0xb8;
	[tilespmem:$0x18980] =	vst v63  }
0x1c3: {  	s15 =	simm.s32 $0xC100  }
0x1c4: {  	[tilespmem:s15], [sflag:$0x1] =	stream.indirect_vreg.gather [hbm4b:s10+s5], $0x80, v32, vm0, $0xb8;
	[tilespmem:$0x18980] =	vst v63  }
0x1c5: {  	s18 =	rddreg [dreg:$0xb]  }
0x1c6: {  	[hbm4b:s18+s5] =	stream.linear.scatter [tilespmem:s3], [sflag:$0x2], $0xC000, $0x38;
	[tilespmem:$0x18980] =	vst v63  }
0x1c7: {  	_ =	swait.ge [sflag:s0], $0xC000  }
0x1c8: {  	[sflag:s0] =	ssyncset.done $0x0  }
0x1c9: {  	[sflag:s0] =	ssyncadd.s32 $0xFFFF4000  }
0x1ca: {  	_ =	swait.ge [sflag:s25], $0xC000  }
0x1cb: {  	[sflag:s25] =	ssyncset.done $0x0  }
0x1cc: {  	[sflag:s25] =	ssyncadd.s32 $0xFFFF4000  }
0x1cd: {  	v59 =	vld [tilespmem:$0xC0];
	_ =	sdelay $0x4  }
0x1ce: {  	v60 =	vshrl.u32 v59, $0x3  }
0x1cf: {  	v33 =	vmul.u32 $0x30, v60  }
0x1d0: {  	v32 =	vand.u32 $0x7, v59  }
0x1d1: {  	v32 =	vor.u32 v32, v33  }
0x1d2: {  	v33 =	vperm.xlane v32, v29;
	_ =	sdelay $0x1  }
0x1d3: {  	v33 =	vadd.s32 v30, v33;
	_ =	sdelay $0x3  }
0x1d4: {  	v32 =	vperm.xlane v32, v31  }
0x1d5: {  	[tilespmem:s3], [sflag:$0x1] =	stream.indirect_vreg.gather [hbm4b:s2+s5], $0x80, v33, vm0, $0xb8;
	[tilespmem:$0x18980] =	vst v63  }
0x1d6: {  	s26 =	simm.s32 $0xD100;
	v32 =	vadd.s32 v30, v32  }
0x1d7: {  	[tilespmem:s26], [sflag:$0x1] =	stream.indirect_vreg.gather [hbm4b:s9+s5], $0x80, v33, vm0, $0xb8;
	[tilespmem:$0x18980] =	vst v63  }
0x1d8: {  	s31 =	simm.s32 $0xD900  }
0x1d9: {  	[tilespmem:s31], [sflag:$0x1] =	stream.indirect_vreg.gather [hbm4b:s10+s5], $0x80, v33, vm0, $0xb8;
	[tilespmem:$0x18980] =	vst v63  }
0x1da: {  	s4 =	simm.s32 $0xE100  }
0x1db: {  	[tilespmem:s4], [sflag:$0x1] =	stream.indirect_vreg.gather [hbm4b:s2+s5], $0x80, v32, vm0, $0xb8;
	[tilespmem:$0x18980] =	vst v63  }
0x1dc: {  	s11 =	simm.s32 $0xE900  }
0x1dd: {  	[tilespmem:s11], [sflag:$0x1] =	stream.indirect_vreg.gather [hbm4b:s9+s5], $0x80, v32, vm0, $0xb8;
	[tilespmem:$0x18980] =	vst v63  }
0x1de: {  	s15 =	simm.s32 $0xF100  }
0x1df: {  	[tilespmem:s15], [sflag:$0x1] =	stream.indirect_vreg.gather [hbm4b:s10+s5], $0x80, v32, vm0, $0xb8;
	[tilespmem:$0x18980] =	vst v63  }
0x1e0: {  	v32 =	vld [tilespmem:$0xD0];
	_ =	sdelay $0x4  }
0x1e1: {  	v61 =	vshrl.u32 v32, $0x3  }
0x1e2: {  	v33 =	vmul.u32 $0x30, v61  }
0x1e3: {  	v32 =	vand.u32 $0x7, v32  }
0x1e4: {  	v32 =	vor.u32 v32, v33  }
0x1e5: {  	v33 =	vperm.xlane v32, v29;
	_ =	sdelay $0x1  }
0x1e6: {  	v33 =	vadd.s32 v30, v33;
	_ =	sdelay $0x3  }
0x1e7: {  	s18 =	simm.s32 $0xF900;
	v32 =	vperm.xlane v32, v31  }
0x1e8: {  	[tilespmem:s18], [sflag:$0x1] =	stream.indirect_vreg.gather [hbm4b:s2+s5], $0x80, v33, vm0, $0xb8;
	[tilespmem:$0x18980] =	vst v63  }
0x1e9: {  	s26 =	simm.s32 $0x10100;
	v32 =	vadd.s32 v30, v32  }
0x1ea: {  	[tilespmem:s26], [sflag:$0x1] =	stream.indirect_vreg.gather [hbm4b:s9+s5], $0x80, v33, vm0, $0xb8;
	[tilespmem:$0x18980] =	vst v63  }
0x1eb: {  	s31 =	simm.s32 $0x10900  }
0x1ec: {  	[tilespmem:s31], [sflag:$0x1] =	stream.indirect_vreg.gather [hbm4b:s10+s5], $0x80, v33, vm0, $0xb8;
	[tilespmem:$0x18980] =	vst v63  }
0x1ed: {  	s4 =	simm.s32 $0x11100  }
0x1ee: {  	[tilespmem:s4], [sflag:$0x1] =	stream.indirect_vreg.gather [hbm4b:s2+s5], $0x80, v32, vm0, $0xb8;
	[tilespmem:$0x18980] =	vst v63  }
0x1ef: {  	s11 =	simm.s32 $0x11900  }
0x1f0: {  	[tilespmem:s11], [sflag:$0x1] =	stream.indirect_vreg.gather [hbm4b:s9+s5], $0x80, v32, vm0, $0xb8;
	[tilespmem:$0x18980] =	vst v63  }
0x1f1: {  	s15 =	simm.s32 $0x12100  }
0x1f2: {  	[tilespmem:s15], [sflag:$0x1] =	stream.indirect_vreg.gather [hbm4b:s10+s5], $0x80, v32, vm0, $0xb8;
	[tilespmem:$0x18980] =	vst v63  }
0x1f3: {  	v32 =	vld [tilespmem:$0xE0];
	_ =	sdelay $0x4  }
0x1f4: {  	v62 =	vshrl.u32 v32, $0x3  }
0x1f5: {  	v33 =	vmul.u32 $0x30, v62  }
0x1f6: {  	v32 =	vand.u32 $0x7, v32  }
0x1f7: {  	v32 =	vor.u32 v32, v33  }
0x1f8: {  	v33 =	vperm.xlane v32, v29;
	_ =	sdelay $0x1  }
0x1f9: {  	v33 =	vadd.s32 v30, v33;
	_ =	sdelay $0x3  }
0x1fa: {  	s18 =	simm.s32 $0x12900;
	v32 =	vperm.xlane v32, v31  }
0x1fb: {  	[tilespmem:s18], [sflag:$0x1] =	stream.indirect_vreg.gather [hbm4b:s2+s5], $0x80, v33, vm0, $0xb8;
	[tilespmem:$0x18980] =	vst v63  }
0x1fc: {  	s26 =	simm.s32 $0x13100;
	v32 =	vadd.s32 v30, v32  }
0x1fd: {  	[tilespmem:s26], [sflag:$0x1] =	stream.indirect_vreg.gather [hbm4b:s9+s5], $0x80, v33, vm0, $0xb8;
	[tilespmem:$0x18980] =	vst v63  }
0x1fe: {  	s31 =	simm.s32 $0x13900  }
0x1ff: {  	[tilespmem:s31], [sflag:$0x1] =	stream.indirect_vreg.gather [hbm4b:s10+s5], $0x80, v33, vm0, $0xb8;
	[tilespmem:$0x18980] =	vst v63  }
0x200: {  	s4 =	simm.s32 $0x14100  }
0x201: {  	[tilespmem:s4], [sflag:$0x1] =	stream.indirect_vreg.gather [hbm4b:s2+s5], $0x80, v32, vm0, $0xb8;
	[tilespmem:$0x18980] =	vst v63  }
0x202: {  	s11 =	simm.s32 $0x14900  }
0x203: {  	[tilespmem:s11], [sflag:$0x1] =	stream.indirect_vreg.gather [hbm4b:s9+s5], $0x80, v32, vm0, $0xb8;
	[tilespmem:$0x18980] =	vst v63  }
0x204: {  	s15 =	simm.s32 $0x15100  }
0x205: {  	[tilespmem:s15], [sflag:$0x1] =	stream.indirect_vreg.gather [hbm4b:s10+s5], $0x80, v32, vm0, $0xb8;
	[tilespmem:$0x18980] =	vst v63  }
0x206: {  	v32 =	vld [tilespmem:$0xF0];
	_ =	sdelay $0x4  }
0x207: {  	v63 =	vshrl.u32 v32, $0x3  }
0x208: {  	v33 =	vmul.u32 $0x30, v63  }
0x209: {  	v32 =	vand.u32 $0x7, v32  }
0x20a: {  	v32 =	vor.u32 v32, v33  }
0x20b: {  	v33 =	vperm.xlane v32, v29;
	_ =	sdelay $0x1  }
0x20c: {  	v33 =	vadd.s32 v30, v33;
	_ =	sdelay $0x3  }
0x20d: {  	s18 =	simm.s32 $0x15900;
	v32 =	vperm.xlane v32, v31  }
0x20e: {  	[tilespmem:s18], [sflag:$0x1] =	stream.indirect_vreg.gather [hbm4b:s2+s5], $0x80, v33, vm0, $0xb8;
	[tilespmem:$0x18980] =	vst v63  }
0x20f: {  	s26 =	simm.s32 $0x16100;
	v32 =	vadd.s32 v30, v32  }
0x210: {  	[tilespmem:s26], [sflag:$0x1] =	stream.indirect_vreg.gather [hbm4b:s9+s5], $0x80, v33, vm0, $0xb8;
	[tilespmem:$0x18980] =	vst v63  }
0x211: {  	s31 =	simm.s32 $0x16900  }
0x212: {  	[tilespmem:s31], [sflag:$0x1] =	stream.indirect_vreg.gather [hbm4b:s10+s5], $0x80, v33, vm0, $0xb8;
	[tilespmem:$0x18980] =	vst v63  }
0x213: {  	s4 =	simm.s32 $0x17100  }
0x214: {  	[tilespmem:s4], [sflag:$0x1] =	stream.indirect_vreg.gather [hbm4b:s2+s5], $0x80, v32, vm0, $0xb8;
	[tilespmem:$0x18980] =	vst v63  }
0x215: {  	s11 =	simm.s32 $0x17900  }
0x216: {  	[tilespmem:s11], [sflag:$0x1] =	stream.indirect_vreg.gather [hbm4b:s9+s5], $0x80, v32, vm0, $0xb8;
	[tilespmem:$0x18980] =	vst v63  }
0x217: {  	s15 =	simm.s32 $0x18100  }
0x218: {  	[tilespmem:s15], [sflag:$0x1] =	stream.indirect_vreg.gather [hbm4b:s10+s5], $0x80, v32, vm0, $0xb8;
	[tilespmem:$0x18980] =	vst v63  }
0x219: {  	s18 =	rddreg [dreg:$0xc];
	s26 =	simm.s32 $0x900  }
0x21a: {  	[hbm4b:s18+s5] =	stream.linear.scatter [tilespmem:s26], [sflag:$0x2], $0xC000, $0x38;
	[tilespmem:$0x18980] =	vst v63  }
0x21b: {  	_ =	swait.ge [sflag:s0], $0xC000  }
0x21c: {  	[sflag:s0] =	ssyncset.done $0x0  }
0x21d: {  	s22 =	simm.s32 $0x2100;
	[sflag:s0] =	ssyncadd.s32 $0xFFFF4000  }
0x21e: {  	s24 =	simm.s32 $0x2900;
	s14 =	simm.s32 $0x4100;
	_ =	swait.ge [sflag:s25], $0xC000  }
0x21f: {  	s17 =	simm.s32 $0x4900;
	s20 =	simm.s32 $0x5100;
	[sflag:s25] =	ssyncset.done $0x0  }
0x220: {  	s21 =	simm.s32 $0x5900;
	s31 =	rddreg [dreg:$0xd];
	[sflag:s25] =	ssyncadd.s32 $0xFFFF4000  }
0x221: {  	[hbm4b:s31+s5] =	stream.linear.scatter [tilespmem:s3], [sflag:$0x2], $0xC000, $0x38;
	[tilespmem:$0x18980] =	vst v63  }
.Ltmp4:
0x222: {  	s19 =	simm.s32 $0x6900;
	_ =	swait.ge [sflag:s0], $0xC000;
	(pc) =	sbr.rel @p0 .LBB2_7-.Ltmp4, $4  }
0x223: {  	s28 =	simm.s32 $0x7900;
	s29 =	simm.s32 $0x8900;
	[sflag:s0] =	ssyncset.done $0x0  }
0x224: {  	s30 =	simm.s32 $0x9100;
	s12 =	simm.s32 $0x9900;
	[sflag:s0] =	ssyncadd.s32 $0xFFFF4000  }
0x225: {  	s8 =	simm.s32 $0xA100;
	s13 =	simm.s32 $0xB100;
	[bflag:$0x0] =	sbarrier.arrive $0xFFFF  }
0x226: {  	s16 =	simm.s32 $0xB900;
	s23 =	simm.s32 $0xC100;
	s1 =	rddreg [dreg:$0x8]  }
0x227: {  	s26 =	rddreg [dreg:$0x2];
	s18 =	simm.s32 $0x900;
	s4 =	simm.s32 $0x3  }
0x228: {  	[tilespmem:s18], [sflag:$0x3] =	stream.linear.gather [hbm4b:s26+s5], $0xC000, $0x38;
	[tilespmem:$0x18980] =	vst v63  }
0x229: {  	_ =	swait.ge [sflag:s4], $0xC000  }
0x22a: {  	[sflag:s4] =	ssyncset.done $0x0  }
0x22b: {  	[sflag:s4] =	ssyncadd.s32 $0xFFFF4000  }
0x22c: {  	v32 =	vld [tilespmem:$0x18900];
	_ =	sdelay $0x4  }
0x22d: {  	v33 =	vshrl.u32 v32, $0x3  }
0x22e: {  	v33 =	vmul.u32 $0x30, v33  }
0x22f: {  	v32 =	vand.u32 $0x7, v32  }
0x230: {  	v32 =	vor.u32 v32, v33  }
0x231: {  	v33 =	vperm.xlane v32, v29;
	_ =	sdelay $0x1  }
0x232: {  	v33 =	vadd.s32 v30, v33;
	_ =	sdelay $0x3  }
0x233: {  	s4 =	rddreg [dreg:$0x3];
	v32 =	vperm.xlane v32, v31  }
0x234: {  	[hbm4b:s4+s5] =	stream.indirect_vreg.scatter [tilespmem:s18], [sflag:$0x1], $0x80, v33, vm0, $0xb8;
	[tilespmem:$0x18980] =	vst v63  }
0x235: {  	s0 =	simm.s32 $0x1100;
	s15 =	rddreg [dreg:$0x6];
	v32 =	vadd.s32 v30, v32  }
0x236: {  	[hbm4b:s15+s5] =	stream.indirect_vreg.scatter [tilespmem:s0], [sflag:$0x1], $0x80, v33, vm0, $0xb8;
	[tilespmem:$0x18980] =	vst v63  }
0x237: {  	s11 =	simm.s32 $0x1900;
	s31 =	rddreg [dreg:$0x7]  }
0x238: {  	[hbm4b:s31+s5] =	stream.indirect_vreg.scatter [tilespmem:s11], [sflag:$0x1], $0x80, v33, vm0, $0xb8;
	[tilespmem:$0x18980] =	vst v63  }
0x239: {  	_ = 	snop  }
0x23a: {  	[hbm4b:s4+s5] =	stream.indirect_vreg.scatter [tilespmem:s22], [sflag:$0x1], $0x80, v32, vm0, $0xb8;
	[tilespmem:$0x18980] =	vst v63  }
0x23b: {  	_ = 	snop  }
0x23c: {  	[hbm4b:s15+s5] =	stream.indirect_vreg.scatter [tilespmem:s24], [sflag:$0x1], $0x80, v32, vm0, $0xb8;
	[tilespmem:$0x18980] =	vst v63  }
0x23d: {  	s11 =	simm.s32 $0x3100  }
0x23e: {  	[hbm4b:s31+s5] =	stream.indirect_vreg.scatter [tilespmem:s11], [sflag:$0x1], $0x80, v32, vm0, $0xb8;
	[tilespmem:$0x18980] =	vst v63  }
0x23f: {  	v32 =	vld [tilespmem:$0x18910];
	_ =	sdelay $0x4  }
0x240: {  	v61 =	vshrl.u32 v32, $0x3  }
0x241: {  	v33 =	vmul.u32 $0x30, v61  }
0x242: {  	v32 =	vand.u32 $0x7, v32  }
0x243: {  	v32 =	vor.u32 v32, v33  }
0x244: {  	v33 =	vperm.xlane v32, v29;
	_ =	sdelay $0x1  }
0x245: {  	v33 =	vadd.s32 v30, v33;
	_ =	sdelay $0x3  }
0x246: {  	s22 =	simm.s32 $0x3900;
	v32 =	vperm.xlane v32, v31  }
0x247: {  	[hbm4b:s4+s5] =	stream.indirect_vreg.scatter [tilespmem:s22], [sflag:$0x1], $0x80, v33, vm0, $0xb8;
	[tilespmem:$0x18980] =	vst v63  }
0x248: {  	v32 =	vadd.s32 v30, v32  }
0x249: {  	[hbm4b:s15+s5] =	stream.indirect_vreg.scatter [tilespmem:s14], [sflag:$0x1], $0x80, v33, vm0, $0xb8;
	[tilespmem:$0x18980] =	vst v63  }
0x24a: {  	_ = 	snop  }
0x24b: {  	[hbm4b:s31+s5] =	stream.indirect_vreg.scatter [tilespmem:s17], [sflag:$0x1], $0x80, v33, vm0, $0xb8;
	[tilespmem:$0x18980] =	vst v63  }
0x24c: {  	_ = 	snop  }
0x24d: {  	[hbm4b:s4+s5] =	stream.indirect_vreg.scatter [tilespmem:s20], [sflag:$0x1], $0x80, v32, vm0, $0xb8;
	[tilespmem:$0x18980] =	vst v63  }
0x24e: {  	_ = 	snop  }
0x24f: {  	[hbm4b:s15+s5] =	stream.indirect_vreg.scatter [tilespmem:s21], [sflag:$0x1], $0x80, v32, vm0, $0xb8;
	[tilespmem:$0x18980] =	vst v63  }
0x250: {  	s24 =	simm.s32 $0x6100  }
0x251: {  	[hbm4b:s31+s5] =	stream.indirect_vreg.scatter [tilespmem:s24], [sflag:$0x1], $0x80, v32, vm0, $0xb8;
	[tilespmem:$0x18980] =	vst v63  }
0x252: {  	v32 =	vld [tilespmem:$0x18920];
	_ =	sdelay $0x4  }
0x253: {  	v62 =	vshrl.u32 v32, $0x3  }
0x254: {  	v33 =	vmul.u32 $0x30, v62  }
0x255: {  	v32 =	vand.u32 $0x7, v32  }
0x256: {  	v32 =	vor.u32 v32, v33  }
0x257: {  	v33 =	vperm.xlane v32, v29;
	_ =	sdelay $0x1  }
0x258: {  	v33 =	vadd.s32 v30, v33;
	_ =	sdelay $0x3  }
0x259: {  	v32 =	vperm.xlane v32, v31  }
0x25a: {  	[hbm4b:s4+s5] =	stream.indirect_vreg.scatter [tilespmem:s19], [sflag:$0x1], $0x80, v33, vm0, $0xb8;
	[tilespmem:$0x18980] =	vst v63  }
0x25b: {  	s26 =	simm.s32 $0x7100;
	v32 =	vadd.s32 v30, v32  }
0x25c: {  	[hbm4b:s15+s5] =	stream.indirect_vreg.scatter [tilespmem:s26], [sflag:$0x1], $0x80, v33, vm0, $0xb8;
	[tilespmem:$0x18980] =	vst v63  }
0x25d: {  	_ = 	snop  }
0x25e: {  	[hbm4b:s31+s5] =	stream.indirect_vreg.scatter [tilespmem:s28], [sflag:$0x1], $0x80, v33, vm0, $0xb8;
	[tilespmem:$0x18980] =	vst v63  }
0x25f: {  	s28 =	simm.s32 $0x8100  }
0x260: {  	[hbm4b:s4+s5] =	stream.indirect_vreg.scatter [tilespmem:s28], [sflag:$0x1], $0x80, v32, vm0, $0xb8;
	[tilespmem:$0x18980] =	vst v63  }
0x261: {  	_ = 	snop  }
0x262: {  	[hbm4b:s15+s5] =	stream.indirect_vreg.scatter [tilespmem:s29], [sflag:$0x1], $0x80, v32, vm0, $0xb8;
	[tilespmem:$0x18980] =	vst v63  }
0x263: {  	_ = 	snop  }
0x264: {  	[hbm4b:s31+s5] =	stream.indirect_vreg.scatter [tilespmem:s30], [sflag:$0x1], $0x80, v32, vm0, $0xb8;
	[tilespmem:$0x18980] =	vst v63  }
0x265: {  	v32 =	vld [tilespmem:$0x18930];
	_ =	sdelay $0x4  }
0x266: {  	v63 =	vshrl.u32 v32, $0x3  }
0x267: {  	v33 =	vmul.u32 $0x30, v63  }
0x268: {  	v32 =	vand.u32 $0x7, v32  }
0x269: {  	v32 =	vor.u32 v32, v33  }
0x26a: {  	v33 =	vperm.xlane v32, v29;
	_ =	sdelay $0x1  }
0x26b: {  	v33 =	vadd.s32 v30, v33;
	_ =	sdelay $0x3  }
0x26c: {  	v32 =	vperm.xlane v32, v31  }
0x26d: {  	[hbm4b:s4+s5] =	stream.indirect_vreg.scatter [tilespmem:s12], [sflag:$0x1], $0x80, v33, vm0, $0xb8;
	[tilespmem:$0x18980] =	vst v63  }
0x26e: {  	v32 =	vadd.s32 v30, v32  }
0x26f: {  	[hbm4b:s15+s5] =	stream.indirect_vreg.scatter [tilespmem:s8], [sflag:$0x1], $0x80, v33, vm0, $0xb8;
	[tilespmem:$0x18980] =	vst v63  }
0x270: {  	s30 =	simm.s32 $0xA900  }
0x271: {  	[hbm4b:s31+s5] =	stream.indirect_vreg.scatter [tilespmem:s30], [sflag:$0x1], $0x80, v33, vm0, $0xb8;
	[tilespmem:$0x18980] =	vst v63  }
0x272: {  	_ = 	snop  }
0x273: {  	[hbm4b:s4+s5] =	stream.indirect_vreg.scatter [tilespmem:s13], [sflag:$0x1], $0x80, v32, vm0, $0xb8;
	[tilespmem:$0x18980] =	vst v63  }
0x274: {  	_ = 	snop  }
0x275: {  	[hbm4b:s15+s5] =	stream.indirect_vreg.scatter [tilespmem:s16], [sflag:$0x1], $0x80, v32, vm0, $0xb8;
	[tilespmem:$0x18980] =	vst v63  }
0x276: {  	_ = 	snop  }
0x277: {  	[hbm4b:s31+s5] =	stream.indirect_vreg.scatter [tilespmem:s23], [sflag:$0x1], $0x80, v32, vm0, $0xb8;
	[tilespmem:$0x18980] =	vst v63  }
.Ltmp5:
0x278: {  	_ = 	snop;
	(pc) =	sbr.rel .LBB2_7-.Ltmp5, $4  }
0x279: {  	s31 =	simm.s32 $0x1  }
0x27a: {  	_ =	swait.ge [sflag:s31], $0xC000  }
0x27b: {  	[sflag:s31] =	ssyncset.done $0x0  }
0x27c: {  	[sflag:s31] =	ssyncadd.s32 $0xFFFF4000  }
.LBB2_8:
0x27d: {  	_ =	sfence.sel $0x180000  }
0x27e: {  	[bflag:$0x0] =	sbarrier.arrive $0xFFFF  }
0x27f: {  	_ =	strace $0x90000047  }
0x280: {  	s0 =	stileid.u32;
	[bflag:$0x2] =	sbarrier.arrive $0xFFFF  }
0x281: {  	p0 =	sne.s32 s0, $0x0;
	s0 =	rddreg [dreg:$0x4]  }
0x282: {  	s0 =	sadd.s32 @!p0 $0x100000, s0  }
0x283: {  	[sflag:s0] =	ssyncadd.tile.s32 @!p0 $0x1;
	_ =	shalt  }
.Lfunc_end2:
_tile_overlayer_lowered:
.L_overlay_start_2:
0x284: {  	(tag) =	ssettag $0x2  }
0x285: {  	s0 =	rddreg [dreg:$0x0];
	s2 =	stileid.u32  }
0x286: {  	s1 =	rddreg [dreg:$0x1];
	p0 =	sne.s32 s2, $0x0  }
0x287: {  	s3 =	rddreg [dreg:$0x2];
	[bflag:$0x3] =	sbarrier.arrive $0xFFFF;
	s2 =	simm.s32 @!p0 $0x1C03  }
0x288: {  	[timem:s3], [sflag:s2] =	dma.local @!p0 [hbm:s0], s1  }
0x289: {  	s0 =	simm.s32 @!p0 $0x3  }
0x28a: {  	_ =	swait.ge @!p0 [sflag:s0], s1  }
0x28b: {  	s1 =	ssub.s32 @!p0 $0x0, s1;
	[sflag:s0] =	ssyncset.done @!p0 $0x0  }
0x28c: {  	[sflag:s0] =	ssyncadd.s32 @!p0 s1  }
0x28d: {  	[bflag:$0x3] =	sbarrier.arrive $0xFFFF  }
0x28e: {  	_ =	shalt  }

</sc_bundles>
